<compile_context>
chip_gen: v7x
topology: tpu7x:2x2x1
jax: 0.10.2.dev20260603
libtpu: 0.0.44.dev20260713+nightly
codegen_flags: <defaults>
</compile_context>

<pallas_src>
import functools

import numpy as np
import jax
import jax.numpy as jnp
from jax import lax
from jax.experimental import pallas as pl
from jax.experimental.pallas import tpu as pltpu
from jax.experimental.pallas import tpu_sc as plsc

NUM_FIELDS = 26
VOCAB = 100000
EMBED = 32
BATCH = 4096
PAIRS = NUM_FIELDS * (NUM_FIELDS - 1) // 2
EMB_DIM = NUM_FIELDS * EMBED
H1 = 512
H2 = 256

_NC = 2
_NS = 16

_EPS = 1e-5


def _build_sc_hist():
  mesh = plsc.VectorSubcoreMesh(core_axis_name="c", subcore_axis_name="s")

  @functools.partial(
      pl.kernel,
      mesh=mesh,
      out_type=jax.ShapeDtypeStruct((NUM_FIELDS, 1, VOCAB), jnp.float32),
      scratch_types=[
          pltpu.VMEM((BATCH,), jnp.int32),
          pltpu.VMEM((1, VOCAB), jnp.float32),
      ],
      compiler_params=pltpu.CompilerParams(needs_layout_passes=False),
  )
  def sc_hist(xT_hbm, out_hbm, idx_v, c2_v):
    w = lax.axis_index("s") * _NC + lax.axis_index("c")
    c_v = c2_v.at[0]

    @pl.when(w < NUM_FIELDS)
    def _():
      zero16 = jnp.zeros((16,), jnp.float32)

      def zbody(j, carry):
        base = j * 256
        for k in range(16):
          c_v[pl.ds(base + k * 16, 16)] = zero16
        return carry

      lax.fori_loop(0, VOCAB // 256, zbody, 0)
      for k in range(VOCAB % 256 // 16):
        c_v[pl.ds((VOCAB // 256) * 256 + k * 16, 16)] = zero16
      pltpu.sync_copy(xT_hbm.at[w], idx_v)
      one = jnp.ones((16,), jnp.float32)
      lanes = lax.iota(jnp.int32, 16)

      def gbody(g, carry):
        ix = idx_v[pl.ds(g * 16, 16)]
        for l in range(16):
          plsc.addupdate_scatter(c_v, [ix], one, mask=lanes == l)
        return carry

      lax.fori_loop(0, BATCH // 16, gbody, 0)
      pltpu.sync_copy(c2_v, out_hbm.at[w])

  return sc_hist


_sc_hist_cache = []


def _get_sc_hist():
  if not _sc_hist_cache:
    _sc_hist_cache.append(_build_sc_hist())
  return _sc_hist_cache[0]


_r_idx, _c_idx = np.triu_indices(NUM_FIELDS, k=1)
_SR_np = np.zeros((PAIRS, NUM_FIELDS), np.float32)
_SR_np[np.arange(PAIRS), _r_idx] = 1.0
_SC_np = np.zeros((PAIRS, NUM_FIELDS), np.float32)
_SC_np[np.arange(PAIRS), _c_idx] = 1.0


def _mm_body(tabT_ref, c_ref, W1f_ref, W1p_ref, SR_ref, SCm_ref, g1_ref,
             be1_ref, W2_ref, g2_ref, be2_ref, Wout_ref, bout_ref, out_ref,
             v26_scr, d1_scr):
  f32 = jnp.float32
  f = pl.program_id(0)
  a = tabT_ref[0]
  c = c_ref[0]
  vcolf = jnp.sum(a * c, axis=1, keepdims=True)
  v26_scr[pl.ds(f, 1), :] = jnp.transpose(vcolf)
  w1f = W1f_ref[0]
  contrib = jnp.dot(w1f, vcolf, preferred_element_type=f32)

  @pl.when(f == 0)
  def _():
    d1_scr[...] = contrib

  @pl.when(f > 0)
  def _():
    d1_scr[...] = d1_scr[...] + contrib

  @pl.when(f == NUM_FIELDS - 1)
  def _():
    B = float(BATCH)
    v26 = v26_scr[...]
    VR = jnp.dot(SR_ref[...], v26, preferred_element_type=f32)
    VC = jnp.dot(SCm_ref[...], v26, preferred_element_type=f32)
    pcol = jnp.sum(VR * VC, axis=1, keepdims=True)
    d1 = d1_scr[...] + jnp.dot(W1p_ref[...], pcol, preferred_element_type=f32)
    s1 = lax.rsqrt(d1 * d1 * ((B - 1.0) / (B * B)) + _EPS)
    g1 = g1_ref[...]
    be1 = be1_ref[...]
    hm = jnp.maximum((-1.0 / B) * d1 * s1 * g1 + be1, 0.0)
    hl = jnp.maximum(((B - 1.0) / B) * d1 * s1 * g1 + be1, 0.0)
    d2 = jnp.dot(W2_ref[...], hl - hm, preferred_element_type=f32)
    s2 = lax.rsqrt(d2 * d2 * ((B - 1.0) / (B * B)) + _EPS)
    g2 = g2_ref[...]
    be2 = be2_ref[...]
    h2m = jnp.maximum((-1.0 / B) * d2 * s2 * g2 + be2, 0.0)
    h2l = jnp.maximum(((B - 1.0) / B) * d2 * s2 * g2 + be2, 0.0)
    wout = Wout_ref[...]
    bout = bout_ref[...]
    om = jnp.dot(wout, h2m, preferred_element_type=f32) + bout
    ol = jnp.dot(wout, h2l, preferred_element_type=f32) + bout
    sm = 1.0 / (1.0 + jnp.exp(-om))
    sl = 1.0 / (1.0 + jnp.exp(-ol))
    rows = BATCH // 128
    ids = (lax.broadcasted_iota(jnp.int32, (rows, 128), 0) * 128
           + lax.broadcasted_iota(jnp.int32, (rows, 128), 1))
    out_ref[...] = jnp.where(ids == BATCH - 1,
                             jnp.broadcast_to(sl, (rows, 128)),
                             jnp.broadcast_to(sm, (rows, 128)))


def _const_spec(nd2, nd1):
  return pl.BlockSpec((nd2, nd1), lambda f: (0, 0))


_mm_call = pl.pallas_call(
    _mm_body,
    grid=(NUM_FIELDS,),
    in_specs=[
        pl.BlockSpec((1, EMBED, VOCAB), lambda f: (f, 0, 0)),
        pl.BlockSpec((1, 1, VOCAB), lambda f: (f, 0, 0)),
        pl.BlockSpec((1, H1, EMBED), lambda f: (f, 0, 0)),
        _const_spec(H1, PAIRS),
        _const_spec(PAIRS, NUM_FIELDS),
        _const_spec(PAIRS, NUM_FIELDS),
        _const_spec(H1, 1),
        _const_spec(H1, 1),
        _const_spec(H2, H1),
        _const_spec(H2, 1),
        _const_spec(H2, 1),
        _const_spec(1, H2),
        _const_spec(1, 1),
    ],
    out_specs=pl.BlockSpec((BATCH // 128, 128), lambda f: (0, 0)),
    out_shape=jax.ShapeDtypeStruct((BATCH // 128, 128), jnp.float32),
    scratch_shapes=[
        pltpu.VMEM((NUM_FIELDS, EMBED), jnp.float32),
        pltpu.VMEM((H1, 1), jnp.float32),
    ],
    compiler_params=pltpu.CompilerParams(vmem_limit_bytes=100 * 1024 * 1024),
)


def kernel(x, tables, W1, b1, g1, be1, W2, b2, g2, be2, Wout, bout):
  xT = x.T
  c = _get_sc_hist()(xT)
  tabT = tables.transpose(0, 2, 1)
  W1f = W1[:, :EMB_DIM].reshape(H1, NUM_FIELDS, EMBED).transpose(1, 0, 2)
  out2d = _mm_call(tabT, c, W1f, W1[:, EMB_DIM:], jnp.asarray(_SR_np),
                   jnp.asarray(_SC_np), g1[:, None], be1[:, None],
                   W2, g2[:, None], be2[:, None], Wout, bout[:, None])
  return out2d.reshape(BATCH)

# --- scband reference (transcript-rebuilt; emitter-appended) ---
"""Pipeline reference for scband-pnn-3126736191880 (READ-ONLY COPY).

The authoritative reference and input builder live on the scoring server;
editing this copy changes nothing except your own understanding.
"""

import jax, jax.numpy as jnp
import numpy as np

NUM_FIELDS = 26
VOCAB = 100000
EMBED = 32
BATCH = 4096
H1 = 512
H2 = 256
INPUT_DIM = NUM_FIELDS * EMBED + NUM_FIELDS * (NUM_FIELDS - 1) // 2


def setup_inputs(seed: int = 0) -> dict:
    key = jax.random.key(seed)
    ks = jax.random.split(key, 12)
    x = jax.random.randint(ks[0], (BATCH, NUM_FIELDS), 0, VOCAB, dtype=jnp.int32)
    tables = jax.random.normal(ks[1], (NUM_FIELDS, VOCAB, EMBED), dtype=jnp.float32) * 0.01
    W1 = jax.random.normal(ks[2], (H1, INPUT_DIM), dtype=jnp.float32) * (1.0 / np.sqrt(INPUT_DIM))
    b1 = jnp.zeros((H1,), dtype=jnp.float32)
    g1 = jnp.ones((H1,), dtype=jnp.float32)
    be1 = jnp.zeros((H1,), dtype=jnp.float32)
    W2 = jax.random.normal(ks[3], (H2, H1), dtype=jnp.float32) * (1.0 / np.sqrt(H1))
    b2 = jnp.zeros((H2,), dtype=jnp.float32)
    g2 = jnp.ones((H2,), dtype=jnp.float32)
    be2 = jnp.zeros((H2,), dtype=jnp.float32)
    Wout = jax.random.normal(ks[4], (1, H2), dtype=jnp.float32) * (1.0 / np.sqrt(H2))
    bout = jnp.zeros((1,), dtype=jnp.float32)
    return {"x": x, "tables": tables, "W1": W1, "b1": b1, "g1": g1, "be1": be1,
            "W2": W2, "b2": b2, "g2": g2, "be2": be2, "Wout": Wout, "bout": bout}


def _batchnorm(h, g, b, eps=1e-5):
    # training-mode BatchNorm1d: normalize with biased batch statistics
    mean = jnp.mean(h, axis=0)
    var = jnp.mean((h - mean) ** 2, axis=0)
    return (h - mean) * jax.lax.rsqrt(var + eps) * g + b


def _forward(x, tables, W1, b1, g1, be1, W2, b2, g2, be2, Wout, bout):
    B = x.shape[0]
    # per-field embedding gather: tables[k][x[:, k]] -> [B, F, D]
    emb = jax.vmap(lambda t, idx: jnp.take(t, idx, axis=0), in_axes=(0, 1), out_axes=1)(tables, x)
    # EmbeddingBag(mode='sum') with offsets = zeros_like(indices):
    # bags 0..B-2 are empty (sum = 0); last bag covers all indices.
    emb_x = jnp.zeros((B, NUM_FIELDS, EMBED), dtype=emb.dtype).at[B - 1].set(jnp.sum(emb, axis=0))
    # inner product network over all field pairs (i < j)
    r, c = np.triu_indices(NUM_FIELDS, k=1)
    p = jnp.sum(emb_x[:, r, :] * emb_x[:, c, :], axis=2)  # [B, F*(F-1)/2]
    mlp_in = jnp.concatenate([emb_x.reshape(B, NUM_FIELDS * EMBED), p], axis=1)
    h = mlp_in @ W1.T + b1
    h = jax.nn.relu(_batchnorm(h, g1, be1))
    h = h @ W2.T + b2
    h = jax.nn.relu(_batchnorm(h, g2, be2))
    out = h @ Wout.T + bout
    return jax.nn.sigmoid(out[:, 0])


def reference(x, tables, W1, b1, g1, be1, W2, b2, g2, be2, Wout, bout):
    return _forward(x, tables, W1, b1, g1, be1, W2, b2, g2, be2, Wout, bout)

if __name__ == "__main__":
    import jax
    _d = setup_inputs()
    print(jax.jit(kernel)(*tuple(_d.values())))

</pallas_src>

<mosaic_0001>
#map = affine_map<(d0, d1) -> (0, 0)>
#map1 = affine_map<(d0, d1) -> (0, 0, 0)>
module attributes {stable_mosaic.version = 14 : i64} {
  func.func @sc_hist(%arg0: i32, %arg1: i32, %arg2: memref<26x4096xi32, #tpu.memory_space<hbm>>, %arg3: memref<26x1x100000xf32, #tpu.memory_space<hbm>>, %arg4: memref<4096xi32, #tpu.memory_space<vmem>>, %arg5: memref<1x100000xf32, #tpu.memory_space<vmem>>) attributes {dimension_semantics = [#tpu.dimension_semantics<core_parallel>, #tpu.dimension_semantics<subcore_parallel>], iteration_bounds = array<i64: 2, 16>, scalar_prefetch = 0 : i64, scratch_operands = 2 : i64, tpu.core_type = #tpu.core_type<sc_vector_subcore>, window_params = [{transform_indices = #map}, {transform_indices = #map1}]} {
    %mul3A = arith.constant 2 : i32
    %mul3A_0 = arith.muli %arg1, %mul3A : i32
    %add3A = arith.addi %mul3A_0, %arg0 : i32
    %lt3A = arith.constant 26 : i32
    %lt3A_1 = arith.cmpi slt, %add3A, %lt3A : i32
    %convert_element_type3A = arith.extui %lt3A_1 : i1 to i32
    %cond3A = arith.constant 0 : i32
    %cond3A_2 = arith.constant 0 : i32
    %cond3A_3 = arith.cmpi ne, %convert_element_type3A, %cond3A_2 : i32
    scf.if %cond3A_3 {
      %broadcast_in_dim3A = arith.constant 0.000000e+00 : f32
      %broadcast_in_dim3A_4 = vector.broadcast %broadcast_in_dim3A : f32 to vector<16xf32>
      %scan3A = arith.constant 0 : i32
      %scan3A_5 = arith.constant 0 : i32
      %scan3A_6 = arith.constant 390 : i32
      %scan3A_7 = arith.addi %scan3A_5, %scan3A_6 : i32
      %scan3A_8 = arith.constant 1 : i32
      scf.for %scan3A_67 = %scan3A_5 to %scan3A_7 step %scan3A_8  : i32 {
        %mul3A_68 = arith.constant 256 : i32
        %mul3A_69 = arith.muli %scan3A_67, %mul3A_68 : i32
        %add3A_70 = arith.constant 0 : i32
        %add3A_71 = arith.addi %mul3A_69, %add3A_70 : i32
        %swap3A_72 = arith.constant 0 : i32
        %swap3A_73 = tpu.memref_slice %arg5[%cond3A, %swap3A_72] : memref<1x100000xf32, #tpu.memory_space<vmem>> -> memref<1x100000xf32, #tpu.memory_space<vmem>>
        %swap3A_74 = tpu.memref_squeeze %swap3A_73 : memref<1x100000xf32, #tpu.memory_space<vmem>> -> memref<100000xf32, #tpu.memory_space<vmem>>
        %swap3A_75 = arith.index_cast %add3A_71 : i32 to index
        %swap3A_76 = tpu.vector_load %swap3A_74[%swap3A_75] {strides = array<i32>} : memref<100000xf32, #tpu.memory_space<vmem>>, vector<16xf32>,
        tpu.vector_store %swap3A_74[%swap3A_75], %broadcast_in_dim3A_4 {strides = array<i32>} : memref<100000xf32, #tpu.memory_space<vmem>>, vector<16xf32>,
        %add3A_77 = arith.constant 16 : i32
        %add3A_78 = arith.addi %mul3A_69, %add3A_77 : i32
        %swap3A_79 = arith.constant 0 : i32
        %swap3A_80 = tpu.memref_slice %arg5[%cond3A, %swap3A_79] : memref<1x100000xf32, #tpu.memory_space<vmem>> -> memref<1x100000xf32, #tpu.memory_space<vmem>>
        %swap3A_81 = tpu.memref_squeeze %swap3A_80 : memref<1x100000xf32, #tpu.memory_space<vmem>> -> memref<100000xf32, #tpu.memory_space<vmem>>
        %swap3A_82 = arith.index_cast %add3A_78 : i32 to index
        %swap3A_83 = tpu.vector_load %swap3A_81[%swap3A_82] {strides = array<i32>} : memref<100000xf32, #tpu.memory_space<vmem>>, vector<16xf32>,
        tpu.vector_store %swap3A_81[%swap3A_82], %broadcast_in_dim3A_4 {strides = array<i32>} : memref<100000xf32, #tpu.memory_space<vmem>>, vector<16xf32>,
        %add3A_84 = arith.constant 32 : i32
        %add3A_85 = arith.addi %mul3A_69, %add3A_84 : i32
        %swap3A_86 = arith.constant 0 : i32
        %swap3A_87 = tpu.memref_slice %arg5[%cond3A, %swap3A_86] : memref<1x100000xf32, #tpu.memory_space<vmem>> -> memref<1x100000xf32, #tpu.memory_space<vmem>>
        %swap3A_88 = tpu.memref_squeeze %swap3A_87 : memref<1x100000xf32, #tpu.memory_space<vmem>> -> memref<100000xf32, #tpu.memory_space<vmem>>
        %swap3A_89 = arith.index_cast %add3A_85 : i32 to index
        %swap3A_90 = tpu.vector_load %swap3A_88[%swap3A_89] {strides = array<i32>} : memref<100000xf32, #tpu.memory_space<vmem>>, vector<16xf32>,
        tpu.vector_store %swap3A_88[%swap3A_89], %broadcast_in_dim3A_4 {strides = array<i32>} : memref<100000xf32, #tpu.memory_space<vmem>>, vector<16xf32>,
        %add3A_91 = arith.constant 48 : i32
        %add3A_92 = arith.addi %mul3A_69, %add3A_91 : i32
        %swap3A_93 = arith.constant 0 : i32
        %swap3A_94 = tpu.memref_slice %arg5[%cond3A, %swap3A_93] : memref<1x100000xf32, #tpu.memory_space<vmem>> -> memref<1x100000xf32, #tpu.memory_space<vmem>>
        %swap3A_95 = tpu.memref_squeeze %swap3A_94 : memref<1x100000xf32, #tpu.memory_space<vmem>> -> memref<100000xf32, #tpu.memory_space<vmem>>
        %swap3A_96 = arith.index_cast %add3A_92 : i32 to index
        %swap3A_97 = tpu.vector_load %swap3A_95[%swap3A_96] {strides = array<i32>} : memref<100000xf32, #tpu.memory_space<vmem>>, vector<16xf32>,
        tpu.vector_store %swap3A_95[%swap3A_96], %broadcast_in_dim3A_4 {strides = array<i32>} : memref<100000xf32, #tpu.memory_space<vmem>>, vector<16xf32>,
        %add3A_98 = arith.constant 64 : i32
        %add3A_99 = arith.addi %mul3A_69, %add3A_98 : i32
        %swap3A_100 = arith.constant 0 : i32
        %swap3A_101 = tpu.memref_slice %arg5[%cond3A, %swap3A_100] : memref<1x100000xf32, #tpu.memory_space<vmem>> -> memref<1x100000xf32, #tpu.memory_space<vmem>>
        %swap3A_102 = tpu.memref_squeeze %swap3A_101 : memref<1x100000xf32, #tpu.memory_space<vmem>> -> memref<100000xf32, #tpu.memory_space<vmem>>
        %swap3A_103 = arith.index_cast %add3A_99 : i32 to index
        %swap3A_104 = tpu.vector_load %swap3A_102[%swap3A_103] {strides = array<i32>} : memref<100000xf32, #tpu.memory_space<vmem>>, vector<16xf32>,
        tpu.vector_store %swap3A_102[%swap3A_103], %broadcast_in_dim3A_4 {strides = array<i32>} : memref<100000xf32, #tpu.memory_space<vmem>>, vector<16xf32>,
        %add3A_105 = arith.constant 80 : i32
        %add3A_106 = arith.addi %mul3A_69, %add3A_105 : i32
        %swap3A_107 = arith.constant 0 : i32
        %swap3A_108 = tpu.memref_slice %arg5[%cond3A, %swap3A_107] : memref<1x100000xf32, #tpu.memory_space<vmem>> -> memref<1x100000xf32, #tpu.memory_space<vmem>>
        %swap3A_109 = tpu.memref_squeeze %swap3A_108 : memref<1x100000xf32, #tpu.memory_space<vmem>> -> memref<100000xf32, #tpu.memory_space<vmem>>
        %swap3A_110 = arith.index_cast %add3A_106 : i32 to index
        %swap3A_111 = tpu.vector_load %swap3A_109[%swap3A_110] {strides = array<i32>} : memref<100000xf32, #tpu.memory_space<vmem>>, vector<16xf32>,
        tpu.vector_store %swap3A_109[%swap3A_110], %broadcast_in_dim3A_4 {strides = array<i32>} : memref<100000xf32, #tpu.memory_space<vmem>>, vector<16xf32>,
        %add3A_112 = arith.constant 96 : i32
        %add3A_113 = arith.addi %mul3A_69, %add3A_112 : i32
        %swap3A_114 = arith.constant 0 : i32
        %swap3A_115 = tpu.memref_slice %arg5[%cond3A, %swap3A_114] : memref<1x100000xf32, #tpu.memory_space<vmem>> -> memref<1x100000xf32, #tpu.memory_space<vmem>>
        %swap3A_116 = tpu.memref_squeeze %swap3A_115 : memref<1x100000xf32, #tpu.memory_space<vmem>> -> memref<100000xf32, #tpu.memory_space<vmem>>
        %swap3A_117 = arith.index_cast %add3A_113 : i32 to index
        %swap3A_118 = tpu.vector_load %swap3A_116[%swap3A_117] {strides = array<i32>} : memref<100000xf32, #tpu.memory_space<vmem>>, vector<16xf32>,
        tpu.vector_store %swap3A_116[%swap3A_117], %broadcast_in_dim3A_4 {strides = array<i32>} : memref<100000xf32, #tpu.memory_space<vmem>>, vector<16xf32>,
        %add3A_119 = arith.constant 112 : i32
        %add3A_120 = arith.addi %mul3A_69, %add3A_119 : i32
        %swap3A_121 = arith.constant 0 : i32
        %swap3A_122 = tpu.memref_slice %arg5[%cond3A, %swap3A_121] : memref<1x100000xf32, #tpu.memory_space<vmem>> -> memref<1x100000xf32, #tpu.memory_space<vmem>>
        %swap3A_123 = tpu.memref_squeeze %swap3A_122 : memref<1x100000xf32, #tpu.memory_space<vmem>> -> memref<100000xf32, #tpu.memory_space<vmem>>
        %swap3A_124 = arith.index_cast %add3A_120 : i32 to index
        %swap3A_125 = tpu.vector_load %swap3A_123[%swap3A_124] {strides = array<i32>} : memref<100000xf32, #tpu.memory_space<vmem>>, vector<16xf32>,
        tpu.vector_store %swap3A_123[%swap3A_124], %broadcast_in_dim3A_4 {strides = array<i32>} : memref<100000xf32, #tpu.memory_space<vmem>>, vector<16xf32>,
        %add3A_126 = arith.constant 128 : i32
        %add3A_127 = arith.addi %mul3A_69, %add3A_126 : i32
        %swap3A_128 = arith.constant 0 : i32
        %swap3A_129 = tpu.memref_slice %arg5[%cond3A, %swap3A_128] : memref<1x100000xf32, #tpu.memory_space<vmem>> -> memref<1x100000xf32, #tpu.memory_space<vmem>>
        %swap3A_130 = tpu.memref_squeeze %swap3A_129 : memref<1x100000xf32, #tpu.memory_space<vmem>> -> memref<100000xf32, #tpu.memory_space<vmem>>
        %swap3A_131 = arith.index_cast %add3A_127 : i32 to index
        %swap3A_132 = tpu.vector_load %swap3A_130[%swap3A_131] {strides = array<i32>} : memref<100000xf32, #tpu.memory_space<vmem>>, vector<16xf32>,
        tpu.vector_store %swap3A_130[%swap3A_131], %broadcast_in_dim3A_4 {strides = array<i32>} : memref<100000xf32, #tpu.memory_space<vmem>>, vector<16xf32>,
        %add3A_133 = arith.constant 144 : i32
        %add3A_134 = arith.addi %mul3A_69, %add3A_133 : i32
        %swap3A_135 = arith.constant 0 : i32
        %swap3A_136 = tpu.memref_slice %arg5[%cond3A, %swap3A_135] : memref<1x100000xf32, #tpu.memory_space<vmem>> -> memref<1x100000xf32, #tpu.memory_space<vmem>>
        %swap3A_137 = tpu.memref_squeeze %swap3A_136 : memref<1x100000xf32, #tpu.memory_space<vmem>> -> memref<100000xf32, #tpu.memory_space<vmem>>
        %swap3A_138 = arith.index_cast %add3A_134 : i32 to index
        %swap3A_139 = tpu.vector_load %swap3A_137[%swap3A_138] {strides = array<i32>} : memref<100000xf32, #tpu.memory_space<vmem>>, vector<16xf32>,
        tpu.vector_store %swap3A_137[%swap3A_138], %broadcast_in_dim3A_4 {strides = array<i32>} : memref<100000xf32, #tpu.memory_space<vmem>>, vector<16xf32>,
        %add3A_140 = arith.constant 160 : i32
        %add3A_141 = arith.addi %mul3A_69, %add3A_140 : i32
        %swap3A_142 = arith.constant 0 : i32
        %swap3A_143 = tpu.memref_slice %arg5[%cond3A, %swap3A_142] : memref<1x100000xf32, #tpu.memory_space<vmem>> -> memref<1x100000xf32, #tpu.memory_space<vmem>>
        %swap3A_144 = tpu.memref_squeeze %swap3A_143 : memref<1x100000xf32, #tpu.memory_space<vmem>> -> memref<100000xf32, #tpu.memory_space<vmem>>
        %swap3A_145 = arith.index_cast %add3A_141 : i32 to index
        %swap3A_146 = tpu.vector_load %swap3A_144[%swap3A_145] {strides = array<i32>} : memref<100000xf32, #tpu.memory_space<vmem>>, vector<16xf32>,
        tpu.vector_store %swap3A_144[%swap3A_145], %broadcast_in_dim3A_4 {strides = array<i32>} : memref<100000xf32, #tpu.memory_space<vmem>>, vector<16xf32>,
        %add3A_147 = arith.constant 176 : i32
        %add3A_148 = arith.addi %mul3A_69, %add3A_147 : i32
        %swap3A_149 = arith.constant 0 : i32
        %swap3A_150 = tpu.memref_slice %arg5[%cond3A, %swap3A_149] : memref<1x100000xf32, #tpu.memory_space<vmem>> -> memref<1x100000xf32, #tpu.memory_space<vmem>>
        %swap3A_151 = tpu.memref_squeeze %swap3A_150 : memref<1x100000xf32, #tpu.memory_space<vmem>> -> memref<100000xf32, #tpu.memory_space<vmem>>
        %swap3A_152 = arith.index_cast %add3A_148 : i32 to index
        %swap3A_153 = tpu.vector_load %swap3A_151[%swap3A_152] {strides = array<i32>} : memref<100000xf32, #tpu.memory_space<vmem>>, vector<16xf32>,
        tpu.vector_store %swap3A_151[%swap3A_152], %broadcast_in_dim3A_4 {strides = array<i32>} : memref<100000xf32, #tpu.memory_space<vmem>>, vector<16xf32>,
        %add3A_154 = arith.constant 192 : i32
        %add3A_155 = arith.addi %mul3A_69, %add3A_154 : i32
        %swap3A_156 = arith.constant 0 : i32
        %swap3A_157 = tpu.memref_slice %arg5[%cond3A, %swap3A_156] : memref<1x100000xf32, #tpu.memory_space<vmem>> -> memref<1x100000xf32, #tpu.memory_space<vmem>>
        %swap3A_158 = tpu.memref_squeeze %swap3A_157 : memref<1x100000xf32, #tpu.memory_space<vmem>> -> memref<100000xf32, #tpu.memory_space<vmem>>
        %swap3A_159 = arith.index_cast %add3A_155 : i32 to index
        %swap3A_160 = tpu.vector_load %swap3A_158[%swap3A_159] {strides = array<i32>} : memref<100000xf32, #tpu.memory_space<vmem>>, vector<16xf32>,
        tpu.vector_store %swap3A_158[%swap3A_159], %broadcast_in_dim3A_4 {strides = array<i32>} : memref<100000xf32, #tpu.memory_space<vmem>>, vector<16xf32>,
        %add3A_161 = arith.constant 208 : i32
        %add3A_162 = arith.addi %mul3A_69, %add3A_161 : i32
        %swap3A_163 = arith.constant 0 : i32
        %swap3A_164 = tpu.memref_slice %arg5[%cond3A, %swap3A_163] : memref<1x100000xf32, #tpu.memory_space<vmem>> -> memref<1x100000xf32, #tpu.memory_space<vmem>>
        %swap3A_165 = tpu.memref_squeeze %swap3A_164 : memref<1x100000xf32, #tpu.memory_space<vmem>> -> memref<100000xf32, #tpu.memory_space<vmem>>
        %swap3A_166 = arith.index_cast %add3A_162 : i32 to index
        %swap3A_167 = tpu.vector_load %swap3A_165[%swap3A_166] {strides = array<i32>} : memref<100000xf32, #tpu.memory_space<vmem>>, vector<16xf32>,
        tpu.vector_store %swap3A_165[%swap3A_166], %broadcast_in_dim3A_4 {strides = array<i32>} : memref<100000xf32, #tpu.memory_space<vmem>>, vector<16xf32>,
        %add3A_168 = arith.constant 224 : i32
        %add3A_169 = arith.addi %mul3A_69, %add3A_168 : i32
        %swap3A_170 = arith.constant 0 : i32
        %swap3A_171 = tpu.memref_slice %arg5[%cond3A, %swap3A_170] : memref<1x100000xf32, #tpu.memory_space<vmem>> -> memref<1x100000xf32, #tpu.memory_space<vmem>>
        %swap3A_172 = tpu.memref_squeeze %swap3A_171 : memref<1x100000xf32, #tpu.memory_space<vmem>> -> memref<100000xf32, #tpu.memory_space<vmem>>
        %swap3A_173 = arith.index_cast %add3A_169 : i32 to index
        %swap3A_174 = tpu.vector_load %swap3A_172[%swap3A_173] {strides = array<i32>} : memref<100000xf32, #tpu.memory_space<vmem>>, vector<16xf32>,
        tpu.vector_store %swap3A_172[%swap3A_173], %broadcast_in_dim3A_4 {strides = array<i32>} : memref<100000xf32, #tpu.memory_space<vmem>>, vector<16xf32>,
        %add3A_175 = arith.constant 240 : i32
        %add3A_176 = arith.addi %mul3A_69, %add3A_175 : i32
        %swap3A_177 = arith.constant 0 : i32
        %swap3A_178 = tpu.memref_slice %arg5[%cond3A, %swap3A_177] : memref<1x100000xf32, #tpu.memory_space<vmem>> -> memref<1x100000xf32, #tpu.memory_space<vmem>>
        %swap3A_179 = tpu.memref_squeeze %swap3A_178 : memref<1x100000xf32, #tpu.memory_space<vmem>> -> memref<100000xf32, #tpu.memory_space<vmem>>
        %swap3A_180 = arith.index_cast %add3A_176 : i32 to index
        %swap3A_181 = tpu.vector_load %swap3A_179[%swap3A_180] {strides = array<i32>} : memref<100000xf32, #tpu.memory_space<vmem>>, vector<16xf32>,
        tpu.vector_store %swap3A_179[%swap3A_180], %broadcast_in_dim3A_4 {strides = array<i32>} : memref<100000xf32, #tpu.memory_space<vmem>>, vector<16xf32>,
      }
      %scan3A_9 = arith.constant 390 : i32
      %swap3A = arith.constant 0 : i32
      %swap3A_10 = tpu.memref_slice %arg5[%cond3A, %swap3A] : memref<1x100000xf32, #tpu.memory_space<vmem>> -> memref<1x100000xf32, #tpu.memory_space<vmem>>
      %swap3A_11 = tpu.memref_squeeze %swap3A_10 : memref<1x100000xf32, #tpu.memory_space<vmem>> -> memref<100000xf32, #tpu.memory_space<vmem>>
      %swap3A_12 = arith.constant 99840 : index
      %swap3A_13 = tpu.vector_load %swap3A_11[%swap3A_12] {strides = array<i32>} : memref<100000xf32, #tpu.memory_space<vmem>>, vector<16xf32>,
      tpu.vector_store %swap3A_11[%swap3A_12], %broadcast_in_dim3A_4 {strides = array<i32>} : memref<100000xf32, #tpu.memory_space<vmem>>, vector<16xf32>,
      %swap3A_14 = arith.constant 0 : i32
      %swap3A_15 = tpu.memref_slice %arg5[%cond3A, %swap3A_14] : memref<1x100000xf32, #tpu.memory_space<vmem>> -> memref<1x100000xf32, #tpu.memory_space<vmem>>
      %swap3A_16 = tpu.memref_squeeze %swap3A_15 : memref<1x100000xf32, #tpu.memory_space<vmem>> -> memref<100000xf32, #tpu.memory_space<vmem>>
      %swap3A_17 = arith.constant 99856 : index
      %swap3A_18 = tpu.vector_load %swap3A_16[%swap3A_17] {strides = array<i32>} : memref<100000xf32, #tpu.memory_space<vmem>>, vector<16xf32>,
      tpu.vector_store %swap3A_16[%swap3A_17], %broadcast_in_dim3A_4 {strides = array<i32>} : memref<100000xf32, #tpu.memory_space<vmem>>, vector<16xf32>,
      %swap3A_19 = arith.constant 0 : i32
      %swap3A_20 = tpu.memref_slice %arg5[%cond3A, %swap3A_19] : memref<1x100000xf32, #tpu.memory_space<vmem>> -> memref<1x100000xf32, #tpu.memory_space<vmem>>
      %swap3A_21 = tpu.memref_squeeze %swap3A_20 : memref<1x100000xf32, #tpu.memory_space<vmem>> -> memref<100000xf32, #tpu.memory_space<vmem>>
      %swap3A_22 = arith.constant 99872 : index
      %swap3A_23 = tpu.vector_load %swap3A_21[%swap3A_22] {strides = array<i32>} : memref<100000xf32, #tpu.memory_space<vmem>>, vector<16xf32>,
      tpu.vector_store %swap3A_21[%swap3A_22], %broadcast_in_dim3A_4 {strides = array<i32>} : memref<100000xf32, #tpu.memory_space<vmem>>, vector<16xf32>,
      %swap3A_24 = arith.constant 0 : i32
      %swap3A_25 = tpu.memref_slice %arg5[%cond3A, %swap3A_24] : memref<1x100000xf32, #tpu.memory_space<vmem>> -> memref<1x100000xf32, #tpu.memory_space<vmem>>
      %swap3A_26 = tpu.memref_squeeze %swap3A_25 : memref<1x100000xf32, #tpu.memory_space<vmem>> -> memref<100000xf32, #tpu.memory_space<vmem>>
      %swap3A_27 = arith.constant 99888 : index
      %swap3A_28 = tpu.vector_load %swap3A_26[%swap3A_27] {strides = array<i32>} : memref<100000xf32, #tpu.memory_space<vmem>>, vector<16xf32>,
      tpu.vector_store %swap3A_26[%swap3A_27], %broadcast_in_dim3A_4 {strides = array<i32>} : memref<100000xf32, #tpu.memory_space<vmem>>, vector<16xf32>,
      %swap3A_29 = arith.constant 0 : i32
      %swap3A_30 = tpu.memref_slice %arg5[%cond3A, %swap3A_29] : memref<1x100000xf32, #tpu.memory_space<vmem>> -> memref<1x100000xf32, #tpu.memory_space<vmem>>
      %swap3A_31 = tpu.memref_squeeze %swap3A_30 : memref<1x100000xf32, #tpu.memory_space<vmem>> -> memref<100000xf32, #tpu.memory_space<vmem>>
      %swap3A_32 = arith.constant 99904 : index
      %swap3A_33 = tpu.vector_load %swap3A_31[%swap3A_32] {strides = array<i32>} : memref<100000xf32, #tpu.memory_space<vmem>>, vector<16xf32>,
      tpu.vector_store %swap3A_31[%swap3A_32], %broadcast_in_dim3A_4 {strides = array<i32>} : memref<100000xf32, #tpu.memory_space<vmem>>, vector<16xf32>,
      %swap3A_34 = arith.constant 0 : i32
      %swap3A_35 = tpu.memref_slice %arg5[%cond3A, %swap3A_34] : memref<1x100000xf32, #tpu.memory_space<vmem>> -> memref<1x100000xf32, #tpu.memory_space<vmem>>
      %swap3A_36 = tpu.memref_squeeze %swap3A_35 : memref<1x100000xf32, #tpu.memory_space<vmem>> -> memref<100000xf32, #tpu.memory_space<vmem>>
      %swap3A_37 = arith.constant 99920 : index
      %swap3A_38 = tpu.vector_load %swap3A_36[%swap3A_37] {strides = array<i32>} : memref<100000xf32, #tpu.memory_space<vmem>>, vector<16xf32>,
      tpu.vector_store %swap3A_36[%swap3A_37], %broadcast_in_dim3A_4 {strides = array<i32>} : memref<100000xf32, #tpu.memory_space<vmem>>, vector<16xf32>,
      %swap3A_39 = arith.constant 0 : i32
      %swap3A_40 = tpu.memref_slice %arg5[%cond3A, %swap3A_39] : memref<1x100000xf32, #tpu.memory_space<vmem>> -> memref<1x100000xf32, #tpu.memory_space<vmem>>
      %swap3A_41 = tpu.memref_squeeze %swap3A_40 : memref<1x100000xf32, #tpu.memory_space<vmem>> -> memref<100000xf32, #tpu.memory_space<vmem>>
      %swap3A_42 = arith.constant 99936 : index
      %swap3A_43 = tpu.vector_load %swap3A_41[%swap3A_42] {strides = array<i32>} : memref<100000xf32, #tpu.memory_space<vmem>>, vector<16xf32>,
      tpu.vector_store %swap3A_41[%swap3A_42], %broadcast_in_dim3A_4 {strides = array<i32>} : memref<100000xf32, #tpu.memory_space<vmem>>, vector<16xf32>,
      %swap3A_44 = arith.constant 0 : i32
      %swap3A_45 = tpu.memref_slice %arg5[%cond3A, %swap3A_44] : memref<1x100000xf32, #tpu.memory_space<vmem>> -> memref<1x100000xf32, #tpu.memory_space<vmem>>
      %swap3A_46 = tpu.memref_squeeze %swap3A_45 : memref<1x100000xf32, #tpu.memory_space<vmem>> -> memref<100000xf32, #tpu.memory_space<vmem>>
      %swap3A_47 = arith.constant 99952 : index
      %swap3A_48 = tpu.vector_load %swap3A_46[%swap3A_47] {strides = array<i32>} : memref<100000xf32, #tpu.memory_space<vmem>>, vector<16xf32>,
      tpu.vector_store %swap3A_46[%swap3A_47], %broadcast_in_dim3A_4 {strides = array<i32>} : memref<100000xf32, #tpu.memory_space<vmem>>, vector<16xf32>,
      %swap3A_49 = arith.constant 0 : i32
      %swap3A_50 = tpu.memref_slice %arg5[%cond3A, %swap3A_49] : memref<1x100000xf32, #tpu.memory_space<vmem>> -> memref<1x100000xf32, #tpu.memory_space<vmem>>
      %swap3A_51 = tpu.memref_squeeze %swap3A_50 : memref<1x100000xf32, #tpu.memory_space<vmem>> -> memref<100000xf32, #tpu.memory_space<vmem>>
      %swap3A_52 = arith.constant 99968 : index
      %swap3A_53 = tpu.vector_load %swap3A_51[%swap3A_52] {strides = array<i32>} : memref<100000xf32, #tpu.memory_space<vmem>>, vector<16xf32>,
      tpu.vector_store %swap3A_51[%swap3A_52], %broadcast_in_dim3A_4 {strides = array<i32>} : memref<100000xf32, #tpu.memory_space<vmem>>, vector<16xf32>,
      %swap3A_54 = arith.constant 0 : i32
      %swap3A_55 = tpu.memref_slice %arg5[%cond3A, %swap3A_54] : memref<1x100000xf32, #tpu.memory_space<vmem>> -> memref<1x100000xf32, #tpu.memory_space<vmem>>
      %swap3A_56 = tpu.memref_squeeze %swap3A_55 : memref<1x100000xf32, #tpu.memory_space<vmem>> -> memref<100000xf32, #tpu.memory_space<vmem>>
      %swap3A_57 = arith.constant 99984 : index
      %swap3A_58 = tpu.vector_load %swap3A_56[%swap3A_57] {strides = array<i32>} : memref<100000xf32, #tpu.memory_space<vmem>>, vector<16xf32>,
      tpu.vector_store %swap3A_56[%swap3A_57], %broadcast_in_dim3A_4 {strides = array<i32>} : memref<100000xf32, #tpu.memory_space<vmem>>, vector<16xf32>,
      "tpu.region"() ({
        %run_scoped3A = tpu.sem_alloc : memref<!tpu.dma_semaphore, #tpu.memory_space<semaphore_mem>>
        %dma_start3A = arith.constant 0 : i32
        %dma_start3A_67 = tpu.memref_slice %arg2[%add3A, %dma_start3A] : memref<26x4096xi32, #tpu.memory_space<hbm>> -> memref<1x4096xi32, #tpu.memory_space<hbm>>
        %dma_start3A_68 = tpu.memref_squeeze %dma_start3A_67 : memref<1x4096xi32, #tpu.memory_space<hbm>> -> memref<4096xi32, #tpu.memory_space<hbm>>
        %dma_start3A_69 = arith.constant 0 : i32
        %dma_start3A_70 = tpu.memref_slice %arg2[%add3A, %dma_start3A_69] : memref<26x4096xi32, #tpu.memory_space<hbm>> -> memref<1x4096xi32, #tpu.memory_space<hbm>>
        %dma_start3A_71 = tpu.memref_squeeze %dma_start3A_70 : memref<1x4096xi32, #tpu.memory_space<hbm>> -> memref<4096xi32, #tpu.memory_space<hbm>>
        tpu.enqueue_dma source(%dma_start3A_71 : memref<4096xi32, #tpu.memory_space<hbm>>) target(%arg4 : memref<4096xi32, #tpu.memory_space<vmem>>) target_semaphore(%run_scoped3A : memref<!tpu.dma_semaphore, #tpu.memory_space<semaphore_mem>>)
        %dma_wait3A = arith.constant 0 : i32
        %dma_wait3A_72 = tpu.memref_slice %arg2[%add3A, %dma_wait3A] : memref<26x4096xi32, #tpu.memory_space<hbm>> -> memref<1x4096xi32, #tpu.memory_space<hbm>>
        %dma_wait3A_73 = tpu.memref_squeeze %dma_wait3A_72 : memref<1x4096xi32, #tpu.memory_space<hbm>> -> memref<4096xi32, #tpu.memory_space<hbm>>
        %dma_wait3A_74 = arith.constant 0 : i32
        %dma_wait3A_75 = tpu.memref_slice %arg2[%add3A, %dma_wait3A_74] : memref<26x4096xi32, #tpu.memory_space<hbm>> -> memref<1x4096xi32, #tpu.memory_space<hbm>>
        %dma_wait3A_76 = tpu.memref_squeeze %dma_wait3A_75 : memref<1x4096xi32, #tpu.memory_space<hbm>> -> memref<4096xi32, #tpu.memory_space<hbm>>
        tpu.wait_dma2 semaphore(%run_scoped3A : memref<!tpu.dma_semaphore, #tpu.memory_space<semaphore_mem>>) src(%dma_wait3A_76 : memref<4096xi32, #tpu.memory_space<hbm>>) dst(%arg4 : memref<4096xi32, #tpu.memory_space<vmem>>)
        tpu.yield
      }) : () -> ()
      %broadcast_in_dim3A_59 = arith.constant 1.000000e+00 : f32
      %broadcast_in_dim3A_60 = vector.broadcast %broadcast_in_dim3A_59 : f32 to vector<16xf32>
      %iota3A = tpu.iota {dimensions = array<i32: 0>} : vector<16xi32>
      %scan3A_61 = arith.constant 0 : i32
      %scan3A_62 = arith.constant 0 : i32
      %scan3A_63 = arith.constant 256 : i32
      %scan3A_64 = arith.addi %scan3A_62, %scan3A_63 : i32
      %scan3A_65 = arith.constant 1 : i32
      scf.for %scan3A_67 = %scan3A_62 to %scan3A_64 step %scan3A_65  : i32 {
        %mul3A_68 = arith.constant 16 : i32
        %mul3A_69 = arith.muli %scan3A_67, %mul3A_68 : i32
        %get3A = arith.index_cast %mul3A_69 : i32 to index
        %get3A_70 = tpu.vector_load %arg4[%get3A] {strides = array<i32>} : memref<4096xi32, #tpu.memory_space<vmem>>, vector<16xi32>,
        %eq3A = arith.constant 0 : i32
        %eq3A_71 = vector.broadcast %eq3A : i32 to vector<16xi32>
        %eq3A_72 = arith.cmpi eq, %iota3A, %eq3A_71 : vector<16xi32>
        %scatter3A = arith.constant 0 : i32
        %scatter3A_73 = tpu.memref_slice %arg5[%cond3A, %scatter3A] : memref<1x100000xf32, #tpu.memory_space<vmem>> -> memref<1x100000xf32, #tpu.memory_space<vmem>>
        %scatter3A_74 = tpu.memref_squeeze %scatter3A_73 : memref<1x100000xf32, #tpu.memory_space<vmem>> -> memref<100000xf32, #tpu.memory_space<vmem>>
        tpu.vector_store_idx %scatter3A_74[%get3A_70], %broadcast_in_dim3A_60 masked %eq3A_72 {add = true} : memref<100000xf32, #tpu.memory_space<vmem>>[vector<16xi32>], vector<16xf32>, vector<16xi1>
        %eq3A_75 = arith.constant 1 : i32
        %eq3A_76 = vector.broadcast %eq3A_75 : i32 to vector<16xi32>
        %eq3A_77 = arith.cmpi eq, %iota3A, %eq3A_76 : vector<16xi32>
        %scatter3A_78 = arith.constant 0 : i32
        %scatter3A_79 = tpu.memref_slice %arg5[%cond3A, %scatter3A_78] : memref<1x100000xf32, #tpu.memory_space<vmem>> -> memref<1x100000xf32, #tpu.memory_space<vmem>>
        %scatter3A_80 = tpu.memref_squeeze %scatter3A_79 : memref<1x100000xf32, #tpu.memory_space<vmem>> -> memref<100000xf32, #tpu.memory_space<vmem>>
        tpu.vector_store_idx %scatter3A_80[%get3A_70], %broadcast_in_dim3A_60 masked %eq3A_77 {add = true} : memref<100000xf32, #tpu.memory_space<vmem>>[vector<16xi32>], vector<16xf32>, vector<16xi1>
        %eq3A_81 = arith.constant 2 : i32
        %eq3A_82 = vector.broadcast %eq3A_81 : i32 to vector<16xi32>
        %eq3A_83 = arith.cmpi eq, %iota3A, %eq3A_82 : vector<16xi32>
        %scatter3A_84 = arith.constant 0 : i32
        %scatter3A_85 = tpu.memref_slice %arg5[%cond3A, %scatter3A_84] : memref<1x100000xf32, #tpu.memory_space<vmem>> -> memref<1x100000xf32, #tpu.memory_space<vmem>>
        %scatter3A_86 = tpu.memref_squeeze %scatter3A_85 : memref<1x100000xf32, #tpu.memory_space<vmem>> -> memref<100000xf32, #tpu.memory_space<vmem>>
        tpu.vector_store_idx %scatter3A_86[%get3A_70], %broadcast_in_dim3A_60 masked %eq3A_83 {add = true} : memref<100000xf32, #tpu.memory_space<vmem>>[vector<16xi32>], vector<16xf32>, vector<16xi1>
        %eq3A_87 = arith.constant 3 : i32
        %eq3A_88 = vector.broadcast %eq3A_87 : i32 to vector<16xi32>
        %eq3A_89 = arith.cmpi eq, %iota3A, %eq3A_88 : vector<16xi32>
        %scatter3A_90 = arith.constant 0 : i32
        %scatter3A_91 = tpu.memref_slice %arg5[%cond3A, %scatter3A_90] : memref<1x100000xf32, #tpu.memory_space<vmem>> -> memref<1x100000xf32, #tpu.memory_space<vmem>>
        %scatter3A_92 = tpu.memref_squeeze %scatter3A_91 : memref<1x100000xf32, #tpu.memory_space<vmem>> -> memref<100000xf32, #tpu.memory_space<vmem>>
        tpu.vector_store_idx %scatter3A_92[%get3A_70], %broadcast_in_dim3A_60 masked %eq3A_89 {add = true} : memref<100000xf32, #tpu.memory_space<vmem>>[vector<16xi32>], vector<16xf32>, vector<16xi1>
        %eq3A_93 = arith.constant 4 : i32
        %eq3A_94 = vector.broadcast %eq3A_93 : i32 to vector<16xi32>
        %eq3A_95 = arith.cmpi eq, %iota3A, %eq3A_94 : vector<16xi32>
        %scatter3A_96 = arith.constant 0 : i32
        %scatter3A_97 = tpu.memref_slice %arg5[%cond3A, %scatter3A_96] : memref<1x100000xf32, #tpu.memory_space<vmem>> -> memref<1x100000xf32, #tpu.memory_space<vmem>>
        %scatter3A_98 = tpu.memref_squeeze %scatter3A_97 : memref<1x100000xf32, #tpu.memory_space<vmem>> -> memref<100000xf32, #tpu.memory_space<vmem>>
        tpu.vector_store_idx %scatter3A_98[%get3A_70], %broadcast_in_dim3A_60 masked %eq3A_95 {add = true} : memref<100000xf32, #tpu.memory_space<vmem>>[vector<16xi32>], vector<16xf32>, vector<16xi1>
        %eq3A_99 = arith.constant 5 : i32
        %eq3A_100 = vector.broadcast %eq3A_99 : i32 to vector<16xi32>
        %eq3A_101 = arith.cmpi eq, %iota3A, %eq3A_100 : vector<16xi32>
        %scatter3A_102 = arith.constant 0 : i32
        %scatter3A_103 = tpu.memref_slice %arg5[%cond3A, %scatter3A_102] : memref<1x100000xf32, #tpu.memory_space<vmem>> -> memref<1x100000xf32, #tpu.memory_space<vmem>>
        %scatter3A_104 = tpu.memref_squeeze %scatter3A_103 : memref<1x100000xf32, #tpu.memory_space<vmem>> -> memref<100000xf32, #tpu.memory_space<vmem>>
        tpu.vector_store_idx %scatter3A_104[%get3A_70], %broadcast_in_dim3A_60 masked %eq3A_101 {add = true} : memref<100000xf32, #tpu.memory_space<vmem>>[vector<16xi32>], vector<16xf32>, vector<16xi1>
        %eq3A_105 = arith.constant 6 : i32
        %eq3A_106 = vector.broadcast %eq3A_105 : i32 to vector<16xi32>
        %eq3A_107 = arith.cmpi eq, %iota3A, %eq3A_106 : vector<16xi32>
        %scatter3A_108 = arith.constant 0 : i32
        %scatter3A_109 = tpu.memref_slice %arg5[%cond3A, %scatter3A_108] : memref<1x100000xf32, #tpu.memory_space<vmem>> -> memref<1x100000xf32, #tpu.memory_space<vmem>>
        %scatter3A_110 = tpu.memref_squeeze %scatter3A_109 : memref<1x100000xf32, #tpu.memory_space<vmem>> -> memref<100000xf32, #tpu.memory_space<vmem>>
        tpu.vector_store_idx %scatter3A_110[%get3A_70], %broadcast_in_dim3A_60 masked %eq3A_107 {add = true} : memref<100000xf32, #tpu.memory_space<vmem>>[vector<16xi32>], vector<16xf32>, vector<16xi1>
        %eq3A_111 = arith.constant 7 : i32
        %eq3A_112 = vector.broadcast %eq3A_111 : i32 to vector<16xi32>
        %eq3A_113 = arith.cmpi eq, %iota3A, %eq3A_112 : vector<16xi32>
        %scatter3A_114 = arith.constant 0 : i32
        %scatter3A_115 = tpu.memref_slice %arg5[%cond3A, %scatter3A_114] : memref<1x100000xf32, #tpu.memory_space<vmem>> -> memref<1x100000xf32, #tpu.memory_space<vmem>>
        %scatter3A_116 = tpu.memref_squeeze %scatter3A_115 : memref<1x100000xf32, #tpu.memory_space<vmem>> -> memref<100000xf32, #tpu.memory_space<vmem>>
        tpu.vector_store_idx %scatter3A_116[%get3A_70], %broadcast_in_dim3A_60 masked %eq3A_113 {add = true} : memref<100000xf32, #tpu.memory_space<vmem>>[vector<16xi32>], vector<16xf32>, vector<16xi1>
        %eq3A_117 = arith.constant 8 : i32
        %eq3A_118 = vector.broadcast %eq3A_117 : i32 to vector<16xi32>
        %eq3A_119 = arith.cmpi eq, %iota3A, %eq3A_118 : vector<16xi32>
        %scatter3A_120 = arith.constant 0 : i32
        %scatter3A_121 = tpu.memref_slice %arg5[%cond3A, %scatter3A_120] : memref<1x100000xf32, #tpu.memory_space<vmem>> -> memref<1x100000xf32, #tpu.memory_space<vmem>>
        %scatter3A_122 = tpu.memref_squeeze %scatter3A_121 : memref<1x100000xf32, #tpu.memory_space<vmem>> -> memref<100000xf32, #tpu.memory_space<vmem>>
        tpu.vector_store_idx %scatter3A_122[%get3A_70], %broadcast_in_dim3A_60 masked %eq3A_119 {add = true} : memref<100000xf32, #tpu.memory_space<vmem>>[vector<16xi32>], vector<16xf32>, vector<16xi1>
        %eq3A_123 = arith.constant 9 : i32
        %eq3A_124 = vector.broadcast %eq3A_123 : i32 to vector<16xi32>
        %eq3A_125 = arith.cmpi eq, %iota3A, %eq3A_124 : vector<16xi32>
        %scatter3A_126 = arith.constant 0 : i32
        %scatter3A_127 = tpu.memref_slice %arg5[%cond3A, %scatter3A_126] : memref<1x100000xf32, #tpu.memory_space<vmem>> -> memref<1x100000xf32, #tpu.memory_space<vmem>>
        %scatter3A_128 = tpu.memref_squeeze %scatter3A_127 : memref<1x100000xf32, #tpu.memory_space<vmem>> -> memref<100000xf32, #tpu.memory_space<vmem>>
        tpu.vector_store_idx %scatter3A_128[%get3A_70], %broadcast_in_dim3A_60 masked %eq3A_125 {add = true} : memref<100000xf32, #tpu.memory_space<vmem>>[vector<16xi32>], vector<16xf32>, vector<16xi1>
        %eq3A_129 = arith.constant 10 : i32
        %eq3A_130 = vector.broadcast %eq3A_129 : i32 to vector<16xi32>
        %eq3A_131 = arith.cmpi eq, %iota3A, %eq3A_130 : vector<16xi32>
        %scatter3A_132 = arith.constant 0 : i32
        %scatter3A_133 = tpu.memref_slice %arg5[%cond3A, %scatter3A_132] : memref<1x100000xf32, #tpu.memory_space<vmem>> -> memref<1x100000xf32, #tpu.memory_space<vmem>>
        %scatter3A_134 = tpu.memref_squeeze %scatter3A_133 : memref<1x100000xf32, #tpu.memory_space<vmem>> -> memref<100000xf32, #tpu.memory_space<vmem>>
        tpu.vector_store_idx %scatter3A_134[%get3A_70], %broadcast_in_dim3A_60 masked %eq3A_131 {add = true} : memref<100000xf32, #tpu.memory_space<vmem>>[vector<16xi32>], vector<16xf32>, vector<16xi1>
        %eq3A_135 = arith.constant 11 : i32
        %eq3A_136 = vector.broadcast %eq3A_135 : i32 to vector<16xi32>
        %eq3A_137 = arith.cmpi eq, %iota3A, %eq3A_136 : vector<16xi32>
        %scatter3A_138 = arith.constant 0 : i32
        %scatter3A_139 = tpu.memref_slice %arg5[%cond3A, %scatter3A_138] : memref<1x100000xf32, #tpu.memory_space<vmem>> -> memref<1x100000xf32, #tpu.memory_space<vmem>>
        %scatter3A_140 = tpu.memref_squeeze %scatter3A_139 : memref<1x100000xf32, #tpu.memory_space<vmem>> -> memref<100000xf32, #tpu.memory_space<vmem>>
        tpu.vector_store_idx %scatter3A_140[%get3A_70], %broadcast_in_dim3A_60 masked %eq3A_137 {add = true} : memref<100000xf32, #tpu.memory_space<vmem>>[vector<16xi32>], vector<16xf32>, vector<16xi1>
        %eq3A_141 = arith.constant 12 : i32
        %eq3A_142 = vector.broadcast %eq3A_141 : i32 to vector<16xi32>
        %eq3A_143 = arith.cmpi eq, %iota3A, %eq3A_142 : vector<16xi32>
        %scatter3A_144 = arith.constant 0 : i32
        %scatter3A_145 = tpu.memref_slice %arg5[%cond3A, %scatter3A_144] : memref<1x100000xf32, #tpu.memory_space<vmem>> -> memref<1x100000xf32, #tpu.memory_space<vmem>>
        %scatter3A_146 = tpu.memref_squeeze %scatter3A_145 : memref<1x100000xf32, #tpu.memory_space<vmem>> -> memref<100000xf32, #tpu.memory_space<vmem>>
        tpu.vector_store_idx %scatter3A_146[%get3A_70], %broadcast_in_dim3A_60 masked %eq3A_143 {add = true} : memref<100000xf32, #tpu.memory_space<vmem>>[vector<16xi32>], vector<16xf32>, vector<16xi1>
        %eq3A_147 = arith.constant 13 : i32
        %eq3A_148 = vector.broadcast %eq3A_147 : i32 to vector<16xi32>
        %eq3A_149 = arith.cmpi eq, %iota3A, %eq3A_148 : vector<16xi32>
        %scatter3A_150 = arith.constant 0 : i32
        %scatter3A_151 = tpu.memref_slice %arg5[%cond3A, %scatter3A_150] : memref<1x100000xf32, #tpu.memory_space<vmem>> -> memref<1x100000xf32, #tpu.memory_space<vmem>>
        %scatter3A_152 = tpu.memref_squeeze %scatter3A_151 : memref<1x100000xf32, #tpu.memory_space<vmem>> -> memref<100000xf32, #tpu.memory_space<vmem>>
        tpu.vector_store_idx %scatter3A_152[%get3A_70], %broadcast_in_dim3A_60 masked %eq3A_149 {add = true} : memref<100000xf32, #tpu.memory_space<vmem>>[vector<16xi32>], vector<16xf32>, vector<16xi1>
        %eq3A_153 = arith.constant 14 : i32
        %eq3A_154 = vector.broadcast %eq3A_153 : i32 to vector<16xi32>
        %eq3A_155 = arith.cmpi eq, %iota3A, %eq3A_154 : vector<16xi32>
        %scatter3A_156 = arith.constant 0 : i32
        %scatter3A_157 = tpu.memref_slice %arg5[%cond3A, %scatter3A_156] : memref<1x100000xf32, #tpu.memory_space<vmem>> -> memref<1x100000xf32, #tpu.memory_space<vmem>>
        %scatter3A_158 = tpu.memref_squeeze %scatter3A_157 : memref<1x100000xf32, #tpu.memory_space<vmem>> -> memref<100000xf32, #tpu.memory_space<vmem>>
        tpu.vector_store_idx %scatter3A_158[%get3A_70], %broadcast_in_dim3A_60 masked %eq3A_155 {add = true} : memref<100000xf32, #tpu.memory_space<vmem>>[vector<16xi32>], vector<16xf32>, vector<16xi1>
        %eq3A_159 = arith.constant 15 : i32
        %eq3A_160 = vector.broadcast %eq3A_159 : i32 to vector<16xi32>
        %eq3A_161 = arith.cmpi eq, %iota3A, %eq3A_160 : vector<16xi32>
        %scatter3A_162 = arith.constant 0 : i32
        %scatter3A_163 = tpu.memref_slice %arg5[%cond3A, %scatter3A_162] : memref<1x100000xf32, #tpu.memory_space<vmem>> -> memref<1x100000xf32, #tpu.memory_space<vmem>>
        %scatter3A_164 = tpu.memref_squeeze %scatter3A_163 : memref<1x100000xf32, #tpu.memory_space<vmem>> -> memref<100000xf32, #tpu.memory_space<vmem>>
        tpu.vector_store_idx %scatter3A_164[%get3A_70], %broadcast_in_dim3A_60 masked %eq3A_161 {add = true} : memref<100000xf32, #tpu.memory_space<vmem>>[vector<16xi32>], vector<16xf32>, vector<16xi1>
      }
      %scan3A_66 = arith.constant 256 : i32
      "tpu.region"() ({
        %run_scoped3A = tpu.sem_alloc : memref<!tpu.dma_semaphore, #tpu.memory_space<semaphore_mem>>
        %dma_start3A = arith.constant 0 : i32
        %dma_start3A_67 = arith.constant 0 : i32
        %dma_start3A_68 = tpu.memref_slice %arg3[%add3A, %dma_start3A, %dma_start3A_67] : memref<26x1x100000xf32, #tpu.memory_space<hbm>> -> memref<1x1x100000xf32, #tpu.memory_space<hbm>>
        %dma_start3A_69 = tpu.memref_squeeze %dma_start3A_68 : memref<1x1x100000xf32, #tpu.memory_space<hbm>> -> memref<1x100000xf32, #tpu.memory_space<hbm>>
        %dma_start3A_70 = arith.constant 0 : i32
        %dma_start3A_71 = arith.constant 0 : i32
        %dma_start3A_72 = tpu.memref_slice %arg3[%add3A, %dma_start3A_70, %dma_start3A_71] : memref<26x1x100000xf32, #tpu.memory_space<hbm>> -> memref<1x1x100000xf32, #tpu.memory_space<hbm>>
        %dma_start3A_73 = tpu.memref_squeeze %dma_start3A_72 : memref<1x1x100000xf32, #tpu.memory_space<hbm>> -> memref<1x100000xf32, #tpu.memory_space<hbm>>
        tpu.enqueue_dma source(%arg5 : memref<1x100000xf32, #tpu.memory_space<vmem>>) target(%dma_start3A_73 : memref<1x100000xf32, #tpu.memory_space<hbm>>) target_semaphore(%run_scoped3A : memref<!tpu.dma_semaphore, #tpu.memory_space<semaphore_mem>>)
        %dma_wait3A = arith.constant 0 : i32
        %dma_wait3A_74 = arith.constant 0 : i32
        %dma_wait3A_75 = tpu.memref_slice %arg3[%add3A, %dma_wait3A, %dma_wait3A_74] : memref<26x1x100000xf32, #tpu.memory_space<hbm>> -> memref<1x1x100000xf32, #tpu.memory_space<hbm>>
        %dma_wait3A_76 = tpu.memref_squeeze %dma_wait3A_75 : memref<1x1x100000xf32, #tpu.memory_space<hbm>> -> memref<1x100000xf32, #tpu.memory_space<hbm>>
        %dma_wait3A_77 = arith.constant 0 : i32
        %dma_wait3A_78 = arith.constant 0 : i32
        %dma_wait3A_79 = tpu.memref_slice %arg3[%add3A, %dma_wait3A_77, %dma_wait3A_78] : memref<26x1x100000xf32, #tpu.memory_space<hbm>> -> memref<1x1x100000xf32, #tpu.memory_space<hbm>>
        %dma_wait3A_80 = tpu.memref_squeeze %dma_wait3A_79 : memref<1x1x100000xf32, #tpu.memory_space<hbm>> -> memref<1x100000xf32, #tpu.memory_space<hbm>>
        tpu.wait_dma2 semaphore(%run_scoped3A : memref<!tpu.dma_semaphore, #tpu.memory_space<semaphore_mem>>) src(%arg5 : memref<1x100000xf32, #tpu.memory_space<vmem>>) dst(%dma_wait3A_80 : memref<1x100000xf32, #tpu.memory_space<hbm>>)
        tpu.yield
      }) : () -> ()
    } else {
    }
    return
  }
}

module attributes {stable_mosaic.version = 14 : i64} {
  func.func @_mm_body(%arg0: i32, %arg1: memref<1x32x100000xf32, #tpu.memory_space<vmem>>, %arg2: memref<1x1x100000xf32, #tpu.memory_space<vmem>>, %arg3: memref<1x512x32xf32, #tpu.memory_space<vmem>>, %arg4: memref<512x325xf32, #tpu.memory_space<vmem>>, %arg5: memref<325x26xf32, #tpu.memory_space<vmem>>, %arg6: memref<325x26xf32, #tpu.memory_space<vmem>>, %arg7: memref<512x1xf32, #tpu.memory_space<vmem>>, %arg8: memref<512x1xf32, #tpu.memory_space<vmem>>, %arg9: memref<256x512xf32, #tpu.memory_space<vmem>>, %arg10: memref<256x1xf32, #tpu.memory_space<vmem>>, %arg11: memref<256x1xf32, #tpu.memory_space<vmem>>, %arg12: memref<1x256xf32, #tpu.memory_space<vmem>>, %arg13: memref<1x1xf32, #tpu.memory_space<vmem>>, %arg14: memref<32x128xf32, #tpu.memory_space<vmem>>, %arg15: memref<26x32xf32, #tpu.memory_space<vmem>>, %arg16: memref<512x1xf32, #tpu.memory_space<vmem>>) attributes {dimension_semantics = [#tpu.dimension_semantics<arbitrary>], iteration_bounds = array<i64: 26>, scalar_prefetch = 0 : i64, scratch_operands = 2 : i64, tpu.core_type = #tpu.core_type<tc>, window_params = [{transform_indices = @transform_0, window_bounds = array<i64: 1, 32, 100000>}, {transform_indices = @transform_1, window_bounds = array<i64: 1, 1, 100000>}, {transform_indices = @transform_2, window_bounds = array<i64: 1, 512, 32>}, {pipeline_mode = #tpu.pipeline_mode<synchronous>, transform_indices = @transform_3, window_bounds = array<i64: 512, 325>}, {pipeline_mode = #tpu.pipeline_mode<synchronous>, transform_indices = @transform_4, window_bounds = array<i64: 325, 26>}, {pipeline_mode = #tpu.pipeline_mode<synchronous>, transform_indices = @transform_5, window_bounds = array<i64: 325, 26>}, {pipeline_mode = #tpu.pipeline_mode<synchronous>, transform_indices = @transform_6, window_bounds = array<i64: 512, 1>}, {pipeline_mode = #tpu.pipeline_mode<synchronous>, transform_indices = @transform_7, window_bounds = array<i64: 512, 1>}, {pipeline_mode = #tpu.pipeline_mode<synchronous>, transform_indices = @transform_8, window_bounds = array<i64: 256, 512>}, {pipeline_mode = #tpu.pipeline_mode<synchronous>, transform_indices = @transform_9, window_bounds = array<i64: 256, 1>}, {pipeline_mode = #tpu.pipeline_mode<synchronous>, transform_indices = @transform_10, window_bounds = array<i64: 256, 1>}, {pipeline_mode = #tpu.pipeline_mode<synchronous>, transform_indices = @transform_11, window_bounds = array<i64: 1, 256>}, {pipeline_mode = #tpu.pipeline_mode<synchronous>, transform_indices = @transform_12, window_bounds = array<i64: 1, 1>}, {pipeline_mode = #tpu.pipeline_mode<synchronous>, transform_indices = @transform_13, window_bounds = array<i64: 32, 128>}]} {
    %get3A = arith.constant 0 : index
    %get3A_0 = arith.constant 0 : index
    %get3A_1 = arith.constant 0 : index
    %get3A_2 = vector.load %arg1[%get3A, %get3A_0, %get3A_1] : memref<1x32x100000xf32, #tpu.memory_space<vmem>>, vector<1x32x100000xf32>
    %get3A_3 = vector.shape_cast %get3A_2 : vector<1x32x100000xf32> to vector<32x100000xf32>
    %get3A_4 = arith.constant 0 : index
    %get3A_5 = arith.constant 0 : index
    %get3A_6 = arith.constant 0 : index
    %get3A_7 = vector.load %arg2[%get3A_4, %get3A_5, %get3A_6] : memref<1x1x100000xf32, #tpu.memory_space<vmem>>, vector<1x1x100000xf32>
    %get3A_8 = vector.shape_cast %get3A_7 : vector<1x1x100000xf32> to vector<1x100000xf32>
    %mul3A = vector.broadcast %get3A_8 : vector<1x100000xf32> to vector<32x100000xf32>
    %mul3A_9 = arith.mulf %get3A_3, %mul3A : vector<32x100000xf32>
    %reduce_sum3A = arith.constant dense<0.000000e+00> : vector<32xf32>
    %reduce_sum3A_10 = vector.multi_reduction <add>, %mul3A_9, %reduce_sum3A [1] : vector<32x100000xf32> to vector<32xf32>
    %broadcast_in_dim3A = vector.shape_cast %reduce_sum3A_10 : vector<32xf32> to vector<32x1xf32>
    %transpose3A = tpu.transpose %broadcast_in_dim3A, [1, 0] : vector<32x1xf32> -> vector<1x32xf32>
    %swap3A = arith.index_cast %arg0 : i32 to index
    %swap3A_11 = arith.constant 0 : index
    %swap3A_12 = vector.load %arg15[%swap3A, %swap3A_11] : memref<26x32xf32, #tpu.memory_space<vmem>>, vector<1x32xf32>
    tpu.vector_store %arg15[%swap3A, %swap3A_11], %transpose3A {strides = array<i32>} : memref<26x32xf32, #tpu.memory_space<vmem>>, vector<1x32xf32>,
    %get3A_13 = arith.constant 0 : index
    %get3A_14 = arith.constant 0 : index
    %get3A_15 = arith.constant 0 : index
    %get3A_16 = vector.load %arg3[%get3A_13, %get3A_14, %get3A_15] : memref<1x512x32xf32, #tpu.memory_space<vmem>>, vector<1x512x32xf32>
    %get3A_17 = vector.shape_cast %get3A_16 : vector<1x512x32xf32> to vector<512x32xf32>
    %dot_general3A = arith.constant dense<0.000000e+00> : vector<512x1xf32>
    %dot_general3A_18 = tpu.matmul %get3A_17, %broadcast_in_dim3A, %dot_general3A {dimension_numbers = #tpu.dot_dimension_numbers<[1], [0], [0], [1], [0, 0, 1, 1], [], []>, transpose_lhs_hint = false} : vector<512x32xf32>, vector<32x1xf32>, vector<512x1xf32> -> vector<512x1xf32>
    %eq3A = arith.constant 0 : i32
    %eq3A_19 = arith.cmpi eq, %arg0, %eq3A : i32
    %convert_element_type3A = arith.extui %eq3A_19 : i1 to i32
    %cond3A = arith.constant 0 : i32
    %cond3A_20 = arith.cmpi ne, %convert_element_type3A, %cond3A : i32
    scf.if %cond3A_20 {
      %swap3A_30 = arith.constant 0 : index
      %swap3A_31 = arith.constant 0 : index
      %swap3A_32 = vector.load %arg16[%swap3A_30, %swap3A_31] : memref<512x1xf32, #tpu.memory_space<vmem>>, vector<512x1xf32>
      tpu.vector_store %arg16[%swap3A_30, %swap3A_31], %dot_general3A_18 {strides = array<i32>} : memref<512x1xf32, #tpu.memory_space<vmem>>, vector<512x1xf32>,
    } else {
    }
    %gt3A = arith.constant 0 : i32
    %gt3A_21 = arith.cmpi sgt, %arg0, %gt3A : i32
    %convert_element_type3A_22 = arith.extui %gt3A_21 : i1 to i32
    %cond3A_23 = arith.constant 0 : i32
    %cond3A_24 = arith.cmpi ne, %convert_element_type3A_22, %cond3A_23 : i32
    scf.if %cond3A_24 {
      %get3A_30 = arith.constant 0 : index
      %get3A_31 = arith.constant 0 : index
      %get3A_32 = vector.load %arg16[%get3A_30, %get3A_31] : memref<512x1xf32, #tpu.memory_space<vmem>>, vector<512x1xf32>
      %add3A = arith.addf %get3A_32, %dot_general3A_18 : vector<512x1xf32>
      %swap3A_33 = arith.constant 0 : index
      %swap3A_34 = arith.constant 0 : index
      %swap3A_35 = vector.load %arg16[%swap3A_33, %swap3A_34] : memref<512x1xf32, #tpu.memory_space<vmem>>, vector<512x1xf32>
      tpu.vector_store %arg16[%swap3A_33, %swap3A_34], %add3A {strides = array<i32>} : memref<512x1xf32, #tpu.memory_space<vmem>>, vector<512x1xf32>,
    } else {
    }
    %eq3A_25 = arith.constant 25 : i32
    %eq3A_26 = arith.cmpi eq, %arg0, %eq3A_25 : i32
    %convert_element_type3A_27 = arith.extui %eq3A_26 : i1 to i32
    %cond3A_28 = arith.constant 0 : i32
    %cond3A_29 = arith.cmpi ne, %convert_element_type3A_27, %cond3A_28 : i32
    scf.if %cond3A_29 {
      %get3A_30 = arith.constant 0 : index
      %get3A_31 = arith.constant 0 : index
      %get3A_32 = vector.load %arg15[%get3A_30, %get3A_31] : memref<26x32xf32, #tpu.memory_space<vmem>>, vector<26x32xf32>
      %get3A_33 = arith.constant 0 : index
      %get3A_34 = arith.constant 0 : index
      %get3A_35 = vector.load %arg5[%get3A_33, %get3A_34] : memref<325x26xf32, #tpu.memory_space<vmem>>, vector<325x26xf32>
      %dot_general3A_36 = arith.constant dense<0.000000e+00> : vector<325x32xf32>
      %dot_general3A_37 = tpu.matmul %get3A_35, %get3A_32, %dot_general3A_36 {dimension_numbers = #tpu.dot_dimension_numbers<[1], [0], [0], [1], [0, 0, 1, 1], [], []>, transpose_lhs_hint = false} : vector<325x26xf32>, vector<26x32xf32>, vector<325x32xf32> -> vector<325x32xf32>
      %get3A_38 = arith.constant 0 : index
      %get3A_39 = arith.constant 0 : index
      %get3A_40 = vector.load %arg6[%get3A_38, %get3A_39] : memref<325x26xf32, #tpu.memory_space<vmem>>, vector<325x26xf32>
      %dot_general3A_41 = arith.constant dense<0.000000e+00> : vector<325x32xf32>
      %dot_general3A_42 = tpu.matmul %get3A_40, %get3A_32, %dot_general3A_41 {dimension_numbers = #tpu.dot_dimension_numbers<[1], [0], [0], [1], [0, 0, 1, 1], [], []>, transpose_lhs_hint = false} : vector<325x26xf32>, vector<26x32xf32>, vector<325x32xf32> -> vector<325x32xf32>
      %mul3A_43 = arith.mulf %dot_general3A_37, %dot_general3A_42 : vector<325x32xf32>
      %reduce_sum3A_44 = arith.constant dense<0.000000e+00> : vector<325xf32>
      %reduce_sum3A_45 = vector.multi_reduction <add>, %mul3A_43, %reduce_sum3A_44 [1] : vector<325x32xf32> to vector<325xf32>
      %broadcast_in_dim3A_46 = vector.shape_cast %reduce_sum3A_45 : vector<325xf32> to vector<325x1xf32>
      %get3A_47 = arith.constant 0 : index
      %get3A_48 = arith.constant 0 : index
      %get3A_49 = vector.load %arg16[%get3A_47, %get3A_48] : memref<512x1xf32, #tpu.memory_space<vmem>>, vector<512x1xf32>
      %get3A_50 = arith.constant 0 : index
      %get3A_51 = arith.constant 0 : index
      %get3A_52 = vector.load %arg4[%get3A_50, %get3A_51] : memref<512x325xf32, #tpu.memory_space<vmem>>, vector<512x325xf32>
      %dot_general3A_53 = arith.constant dense<0.000000e+00> : vector<512x1xf32>
      %dot_general3A_54 = tpu.matmul %get3A_52, %broadcast_in_dim3A_46, %dot_general3A_53 {dimension_numbers = #tpu.dot_dimension_numbers<[1], [0], [0], [1], [0, 0, 1, 1], [], []>, transpose_lhs_hint = false} : vector<512x325xf32>, vector<325x1xf32>, vector<512x1xf32> -> vector<512x1xf32>
      %add3A = arith.addf %get3A_49, %dot_general3A_54 : vector<512x1xf32>
      %mul3A_55 = arith.mulf %add3A, %add3A : vector<512x1xf32>
      %mul3A_56 = arith.constant 2.4408102E-4 : f32
      %mul3A_57 = vector.broadcast %mul3A_56 : f32 to vector<512x1xf32>
      %mul3A_58 = arith.mulf %mul3A_55, %mul3A_57 : vector<512x1xf32>
      %add3A_59 = arith.constant 9.99999974E-6 : f32
      %add3A_60 = vector.broadcast %add3A_59 : f32 to vector<512x1xf32>
      %add3A_61 = arith.addf %mul3A_58, %add3A_60 : vector<512x1xf32>
      %rsqrt3A = math.rsqrt %add3A_61 : vector<512x1xf32>
      %get3A_62 = arith.constant 0 : index
      %get3A_63 = arith.constant 0 : index
      %get3A_64 = vector.load %arg7[%get3A_62, %get3A_63] : memref<512x1xf32, #tpu.memory_space<vmem>>, vector<512x1xf32>
      %get3A_65 = arith.constant 0 : index
      %get3A_66 = arith.constant 0 : index
      %get3A_67 = vector.load %arg8[%get3A_65, %get3A_66] : memref<512x1xf32, #tpu.memory_space<vmem>>, vector<512x1xf32>
      %mul3A_68 = arith.constant -2.44140625E-4 : f32
      %mul3A_69 = vector.broadcast %mul3A_68 : f32 to vector<512x1xf32>
      %mul3A_70 = arith.mulf %mul3A_69, %add3A : vector<512x1xf32>
      %mul3A_71 = arith.mulf %mul3A_70, %rsqrt3A : vector<512x1xf32>
      %mul3A_72 = arith.mulf %mul3A_71, %get3A_64 : vector<512x1xf32>
      %add3A_73 = arith.addf %mul3A_72, %get3A_67 : vector<512x1xf32>
      %max3A = arith.constant 0.000000e+00 : f32
      %max3A_74 = vector.broadcast %max3A : f32 to vector<512x1xf32>
      %max3A_75 = arith.maximumf %add3A_73, %max3A_74 : vector<512x1xf32>
      %mul3A_76 = arith.constant 0.999755859 : f32
      %mul3A_77 = vector.broadcast %mul3A_76 : f32 to vector<512x1xf32>
      %mul3A_78 = arith.mulf %mul3A_77, %add3A : vector<512x1xf32>
      %mul3A_79 = arith.mulf %mul3A_78, %rsqrt3A : vector<512x1xf32>
      %mul3A_80 = arith.mulf %mul3A_79, %get3A_64 : vector<512x1xf32>
      %add3A_81 = arith.addf %mul3A_80, %get3A_67 : vector<512x1xf32>
      %max3A_82 = arith.constant 0.000000e+00 : f32
      %max3A_83 = vector.broadcast %max3A_82 : f32 to vector<512x1xf32>
      %max3A_84 = arith.maximumf %add3A_81, %max3A_83 : vector<512x1xf32>
      %get3A_85 = arith.constant 0 : index
      %get3A_86 = arith.constant 0 : index
      %get3A_87 = vector.load %arg9[%get3A_85, %get3A_86] : memref<256x512xf32, #tpu.memory_space<vmem>>, vector<256x512xf32>
      %sub3A = arith.subf %max3A_84, %max3A_75 : vector<512x1xf32>
      %dot_general3A_88 = arith.constant dense<0.000000e+00> : vector<256x1xf32>
      %dot_general3A_89 = tpu.matmul %get3A_87, %sub3A, %dot_general3A_88 {dimension_numbers = #tpu.dot_dimension_numbers<[1], [0], [0], [1], [0, 0, 1, 1], [], []>, transpose_lhs_hint = false} : vector<256x512xf32>, vector<512x1xf32>, vector<256x1xf32> -> vector<256x1xf32>
      %mul3A_90 = arith.mulf %dot_general3A_89, %dot_general3A_89 : vector<256x1xf32>
      %mul3A_91 = arith.constant 2.4408102E-4 : f32
      %mul3A_92 = vector.broadcast %mul3A_91 : f32 to vector<256x1xf32>
      %mul3A_93 = arith.mulf %mul3A_90, %mul3A_92 : vector<256x1xf32>
      %add3A_94 = arith.constant 9.99999974E-6 : f32
      %add3A_95 = vector.broadcast %add3A_94 : f32 to vector<256x1xf32>
      %add3A_96 = arith.addf %mul3A_93, %add3A_95 : vector<256x1xf32>
      %rsqrt3A_97 = math.rsqrt %add3A_96 : vector<256x1xf32>
      %get3A_98 = arith.constant 0 : index
      %get3A_99 = arith.constant 0 : index
      %get3A_100 = vector.load %arg10[%get3A_98, %get3A_99] : memref<256x1xf32, #tpu.memory_space<vmem>>, vector<256x1xf32>
      %get3A_101 = arith.constant 0 : index
      %get3A_102 = arith.constant 0 : index
      %get3A_103 = vector.load %arg11[%get3A_101, %get3A_102] : memref<256x1xf32, #tpu.memory_space<vmem>>, vector<256x1xf32>
      %mul3A_104 = arith.constant -2.44140625E-4 : f32
      %mul3A_105 = vector.broadcast %mul3A_104 : f32 to vector<256x1xf32>
      %mul3A_106 = arith.mulf %mul3A_105, %dot_general3A_89 : vector<256x1xf32>
      %mul3A_107 = arith.mulf %mul3A_106, %rsqrt3A_97 : vector<256x1xf32>
      %mul3A_108 = arith.mulf %mul3A_107, %get3A_100 : vector<256x1xf32>
      %add3A_109 = arith.addf %mul3A_108, %get3A_103 : vector<256x1xf32>
      %max3A_110 = arith.constant 0.000000e+00 : f32
      %max3A_111 = vector.broadcast %max3A_110 : f32 to vector<256x1xf32>
      %max3A_112 = arith.maximumf %add3A_109, %max3A_111 : vector<256x1xf32>
      %mul3A_113 = arith.constant 0.999755859 : f32
      %mul3A_114 = vector.broadcast %mul3A_113 : f32 to vector<256x1xf32>
      %mul3A_115 = arith.mulf %mul3A_114, %dot_general3A_89 : vector<256x1xf32>
      %mul3A_116 = arith.mulf %mul3A_115, %rsqrt3A_97 : vector<256x1xf32>
      %mul3A_117 = arith.mulf %mul3A_116, %get3A_100 : vector<256x1xf32>
      %add3A_118 = arith.addf %mul3A_117, %get3A_103 : vector<256x1xf32>
      %max3A_119 = arith.constant 0.000000e+00 : f32
      %max3A_120 = vector.broadcast %max3A_119 : f32 to vector<256x1xf32>
      %max3A_121 = arith.maximumf %add3A_118, %max3A_120 : vector<256x1xf32>
      %get3A_122 = arith.constant 0 : index
      %get3A_123 = arith.constant 0 : index
      %get3A_124 = vector.load %arg12[%get3A_122, %get3A_123] : memref<1x256xf32, #tpu.memory_space<vmem>>, vector<1x256xf32>
      %get3A_125 = arith.constant 0 : index
      %get3A_126 = arith.constant 0 : index
      %get3A_127 = vector.load %arg13[%get3A_125, %get3A_126] : memref<1x1xf32, #tpu.memory_space<vmem>>, vector<1x1xf32>
      %dot_general3A_128 = arith.constant dense<0.000000e+00> : vector<1x1xf32>
      %dot_general3A_129 = tpu.matmul %get3A_124, %max3A_112, %dot_general3A_128 {dimension_numbers = #tpu.dot_dimension_numbers<[1], [0], [0], [1], [0, 0, 1, 1], [], []>, transpose_lhs_hint = false} : vector<1x256xf32>, vector<256x1xf32>, vector<1x1xf32> -> vector<1x1xf32>
      %add3A_130 = arith.addf %dot_general3A_129, %get3A_127 : vector<1x1xf32>
      %dot_general3A_131 = arith.constant dense<0.000000e+00> : vector<1x1xf32>
      %dot_general3A_132 = tpu.matmul %get3A_124, %max3A_121, %dot_general3A_131 {dimension_numbers = #tpu.dot_dimension_numbers<[1], [0], [0], [1], [0, 0, 1, 1], [], []>, transpose_lhs_hint = false} : vector<1x256xf32>, vector<256x1xf32>, vector<1x1xf32> -> vector<1x1xf32>
      %add3A_133 = arith.addf %dot_general3A_132, %get3A_127 : vector<1x1xf32>
      %neg3A = arith.constant 0.000000e+00 : f32
      %neg3A_134 = vector.broadcast %neg3A : f32 to vector<1x1xf32>
      %neg3A_135 = arith.subf %neg3A_134, %add3A_130 : vector<1x1xf32>
      %exp3A = math.exp %neg3A_135 : vector<1x1xf32>
      %add3A_136 = arith.constant 1.000000e+00 : f32
      %add3A_137 = vector.broadcast %add3A_136 : f32 to vector<1x1xf32>
      %add3A_138 = arith.addf %add3A_137, %exp3A : vector<1x1xf32>
      %div3A = arith.constant 1.000000e+00 : f32
      %div3A_139 = vector.broadcast %div3A : f32 to vector<1x1xf32>
      %div3A_140 = arith.divf %div3A_139, %add3A_138 : vector<1x1xf32>
      %neg3A_141 = arith.constant 0.000000e+00 : f32
      %neg3A_142 = vector.broadcast %neg3A_141 : f32 to vector<1x1xf32>
      %neg3A_143 = arith.subf %neg3A_142, %add3A_133 : vector<1x1xf32>
      %exp3A_144 = math.exp %neg3A_143 : vector<1x1xf32>
      %add3A_145 = arith.constant 1.000000e+00 : f32
      %add3A_146 = vector.broadcast %add3A_145 : f32 to vector<1x1xf32>
      %add3A_147 = arith.addf %add3A_146, %exp3A_144 : vector<1x1xf32>
      %div3A_148 = arith.constant 1.000000e+00 : f32
      %div3A_149 = vector.broadcast %div3A_148 : f32 to vector<1x1xf32>
      %div3A_150 = arith.divf %div3A_149, %add3A_147 : vector<1x1xf32>
      %iota3A = tpu.iota {dimensions = array<i32: 0>} : vector<32x128xi32>
      %mul3A_151 = arith.constant 128 : i32
      %mul3A_152 = vector.broadcast %mul3A_151 : i32 to vector<32x128xi32>
      %mul3A_153 = arith.muli %iota3A, %mul3A_152 : vector<32x128xi32>
      %iota3A_154 = tpu.iota {dimensions = array<i32: 1>} : vector<32x128xi32>
      %add3A_155 = arith.addi %mul3A_153, %iota3A_154 : vector<32x128xi32>
      %eq3A_156 = arith.constant 4095 : i32
      %eq3A_157 = vector.broadcast %eq3A_156 : i32 to vector<32x128xi32>
      %eq3A_158 = arith.cmpi eq, %add3A_155, %eq3A_157 : vector<32x128xi32>
      %broadcast_in_dim3A_159 = vector.shape_cast %div3A_150 : vector<1x1xf32> to vector<1x1xf32>
      %broadcast_in_dim3A_160 = vector.broadcast %broadcast_in_dim3A_159 : vector<1x1xf32> to vector<32x128xf32>
      %broadcast_in_dim3A_161 = vector.shape_cast %div3A_140 : vector<1x1xf32> to vector<1x1xf32>
      %broadcast_in_dim3A_162 = vector.broadcast %broadcast_in_dim3A_161 : vector<1x1xf32> to vector<32x128xf32>
      %select_n3A = arith.select %eq3A_158, %broadcast_in_dim3A_160, %broadcast_in_dim3A_162 : vector<32x128xi1>, vector<32x128xf32>
      %swap3A_163 = arith.constant 0 : index
      %swap3A_164 = arith.constant 0 : index
      %swap3A_165 = vector.load %arg14[%swap3A_163, %swap3A_164] : memref<32x128xf32, #tpu.memory_space<vmem>>, vector<32x128xf32>
      tpu.vector_store %arg14[%swap3A_163, %swap3A_164], %select_n3A {strides = array<i32>} : memref<32x128xf32, #tpu.memory_space<vmem>>, vector<32x128xf32>,
    } else {
    }
    return
  }
  func.func @transform_0(%arg0: i32) -> (i32, i32, i32) {
    %c0_i32 = arith.constant 0 : i32
    %c0_i32_0 = arith.constant 0 : i32
    %c0_i32_1 = arith.constant 0 : i32
    return %arg0, %c0_i32, %c0_i32_0 : i32, i32, i32
  }
  func.func @transform_1(%arg0: i32) -> (i32, i32, i32) {
    %c0_i32 = arith.constant 0 : i32
    %c0_i32_0 = arith.constant 0 : i32
    %c0_i32_1 = arith.constant 0 : i32
    return %arg0, %c0_i32, %c0_i32_0 : i32, i32, i32
  }
  func.func @transform_2(%arg0: i32) -> (i32, i32, i32) {
    %c0_i32 = arith.constant 0 : i32
    %c0_i32_0 = arith.constant 0 : i32
    %c0_i32_1 = arith.constant 0 : i32
    return %arg0, %c0_i32, %c0_i32_0 : i32, i32, i32
  }
  func.func @transform_3(%arg0: i32) -> (i32, i32) {
    %c0_i32 = arith.constant 0 : i32
    %c0_i32_0 = arith.constant 0 : i32
    %c0_i32_1 = arith.constant 0 : i32
    return %c0_i32, %c0_i32_0 : i32, i32
  }
  func.func @transform_4(%arg0: i32) -> (i32, i32) {
    %c0_i32 = arith.constant 0 : i32
    %c0_i32_0 = arith.constant 0 : i32
    %c0_i32_1 = arith.constant 0 : i32
    return %c0_i32, %c0_i32_0 : i32, i32
  }
  func.func @transform_5(%arg0: i32) -> (i32, i32) {
    %c0_i32 = arith.constant 0 : i32
    %c0_i32_0 = arith.constant 0 : i32
    %c0_i32_1 = arith.constant 0 : i32
    return %c0_i32, %c0_i32_0 : i32, i32
  }
  func.func @transform_6(%arg0: i32) -> (i32, i32) {
    %c0_i32 = arith.constant 0 : i32
    %c0_i32_0 = arith.constant 0 : i32
    %c0_i32_1 = arith.constant 0 : i32
    return %c0_i32, %c0_i32_0 : i32, i32
  }
  func.func @transform_7(%arg0: i32) -> (i32, i32) {
    %c0_i32 = arith.constant 0 : i32
    %c0_i32_0 = arith.constant 0 : i32
    %c0_i32_1 = arith.constant 0 : i32
    return %c0_i32, %c0_i32_0 : i32, i32
  }
  func.func @transform_8(%arg0: i32) -> (i32, i32) {
    %c0_i32 = arith.constant 0 : i32
    %c0_i32_0 = arith.constant 0 : i32
    %c0_i32_1 = arith.constant 0 : i32
    return %c0_i32, %c0_i32_0 : i32, i32
  }
  func.func @transform_9(%arg0: i32) -> (i32, i32) {
    %c0_i32 = arith.constant 0 : i32
    %c0_i32_0 = arith.constant 0 : i32
    %c0_i32_1 = arith.constant 0 : i32
    return %c0_i32, %c0_i32_0 : i32, i32
  }
  func.func @transform_10(%arg0: i32) -> (i32, i32) {
    %c0_i32 = arith.constant 0 : i32
    %c0_i32_0 = arith.constant 0 : i32
    %c0_i32_1 = arith.constant 0 : i32
    return %c0_i32, %c0_i32_0 : i32, i32
  }
  func.func @transform_11(%arg0: i32) -> (i32, i32) {
    %c0_i32 = arith.constant 0 : i32
    %c0_i32_0 = arith.constant 0 : i32
    %c0_i32_1 = arith.constant 0 : i32
    return %c0_i32, %c0_i32_0 : i32, i32
  }
  func.func @transform_12(%arg0: i32) -> (i32, i32) {
    %c0_i32 = arith.constant 0 : i32
    %c0_i32_0 = arith.constant 0 : i32
    %c0_i32_1 = arith.constant 0 : i32
    return %c0_i32, %c0_i32_0 : i32, i32
  }
  func.func @transform_13(%arg0: i32) -> (i32, i32) {
    %c0_i32 = arith.constant 0 : i32
    %c0_i32_0 = arith.constant 0 : i32
    %c0_i32_1 = arith.constant 0 : i32
    return %c0_i32, %c0_i32_0 : i32, i32
  }
}

</mosaic_0001>

<sc_bundles>
// kernel: kernel.4.cloned.1.call-start
scs
__scs_entry_jumppad:
0x0: {  	(pc) =	sbr.rel $0x88, $3  }
0x1: {  	(tag) =	ssettag $0x0;
	lr =	simm.s32 $0x1  }
0x2: {  	[smem:$0x3F97] =	sst lr;
	_ =	strace $0xD0000000  }
0x3: {  	_ = 	snop  }
0x4: {  	_ = 	snop  }
0x5: {  	_ = 	snop  }
0x6: {  	_ = 	snop  }
0x7: {  	_ = 	snop  }
__scs_overlays_trampoline_lowered:
0x8: {  	[smem:$0x3FA6] =	sst s0  }
0x9: {  	[smem:$0x3FA7] =	sst s1  }
0xa: {  	[smem:$0x3FA8] =	sst s2  }
0xb: {  	[smem:$0x3FA9] =	sst s3  }
0xc: {  	[smem:$0x3FAA] =	sst s4  }
0xd: {  	[smem:$0x3FAB] =	sst s5  }
0xe: {  	[smem:$0x3FAC] =	sst s6  }
0xf: {  	[smem:$0x3FAD] =	sst s7  }
0x10: {  	[smem:$0x3FAE] =	sst s8  }
0x11: {  	[smem:$0x3FAF] =	sst s9;
	s0 =	simm.s32 @!p0 $0x0  }
0x12: {  	s1 =	sld [smem:$0x3F95];
	s0 =	simm.s32 @p0 $0x1  }
0x13: {  	[smem:$0x3FB0] =	sst s0;
	s0 =	simm.s32 @!p1 $0x0  }
0x14: {  	s2 =	sld [smem:$0x3F94];
	s0 =	simm.s32 @p1 $0x1  }
0x15: {  	[smem:$0x3FB1] =	sst s0;
	s0 =	simm.s32 @!p2 $0x0  }
0x16: {  	s3 =	sld [smem:$0x3FDB];
	s0 =	simm.s32 @p2 $0x1  }
0x17: {  	s4 =	simm.s32 $0x1BF5;
	[smem:$0x3FB3] =	sst s0  }
0x18: {  	s0 =	sld [smem:$0x3F96];
	_ =	swait.ge [sflag:s4], $0x0  }
0x19: {  	s7 =	sld [smem:$0x3F97]  }
0x1a: {  	s8 =	sadd.s32 $0xFFFFE003, lr  }
0x1b: {  	s9 =	sadd.s32 $0xFFFFFEF7, lr;
	s5 =	simm.s32 $0xFFFFFFFF;
	p2 =	slt.u32 s8, $0xFFFFF086  }
0x1c: {  	p1 =	slt.u32 s9, $0xF7A;
	s5 =	simm.s32 @!p2 $0x0  }
0x1d: {  	s5 =	simm.s32 @p1 $0x1;
	p0 =	seq.s32 s7, s2  }
0x1e: {  	s7 =	smul.u32 @!p0 $0xF7A, s2;
	p2 =	seq.s32 @!p0 s5, $0x0  }
0x1f: {  	s9 =	smul.u32 $0xF7A, s1;
	s8 =	simm.s32 @!p0 $0x1BF5;
	p2 =	por !p2, p0  }
0x20: {  	[sflag:s8] =	ssyncset.s32 @!p0 $0xFFFFF086;
	s6 =	sadd.s32 @!p0 s3, s7;
	s7 =	simm.s32 @!p0 $0x108  }
0x21: {  	s3 =	sadd.s32 s3, s9;
	s6 =	sadd.s32 @!p0 $0x88, s6;
	s7 =	simm.s32 @p2 $0x1082  }
0x22: {  	[simem:s7], [sflag:s8] =	dma.local @!p0 [hbm:s6], $0xF7A  }
0x23: {  	s9 =	sor.u32 $0xD0000000, s2;
	s6 =	simm.s32 $0x108;
	_ =	swait.ge @!p0 [sflag:s8], $0x0  }
0x24: {  	s3 =	sadd.s32 $0x88, s3;
	s6 =	simm.s32 @!p1 $0x1082;
	[sflag:s4] =	ssyncset.s32 $0xFFFFF086  }
0x25: {  	[simem:s6], [sflag:s4] =	dma.local [hbm:s3], $0xF7A  }
0x26: {  	[smem:$0x3F97] =	sst s1;
	(tag) =	ssettag s2;
	_ =	strace s9  }
0x27: {  	s1 =	sld [smem:$0x3FA7]  }
0x28: {  	s2 =	sld [smem:$0x3FA8]  }
0x29: {  	s4 =	sld [smem:$0x3FAA]  }
0x2a: {  	p0 =	seq.s32 s5, $0x0;
	s5 =	sld [smem:$0x3FAB]  }
0x2b: {  	s6 =	sld [smem:$0x3FAC]  }
0x2c: {  	s7 =	sld [smem:$0x3FAD]  }
0x2d: {  	s3 =	simm.s32 $0x108;
	s8 =	sld [smem:$0x3FAE]  }
0x2e: {  	s3 =	simm.s32 @!p0 $0x1082;
	s9 =	sld [smem:$0x3FAF]  }
0x2f: {  	lr =	sadd.s32 s0, s3;
	s0 =	sld [smem:$0x3FA6]  }
0x30: {  	s3 =	sld [smem:$0x3FA9]  }
0x31: {  	[smem:$0x3FB2] =	sst s10  }
0x32: {  	s10 =	sld [smem:$0x3FB0];
	_ =	sdelay $0x3  }
0x33: {  	p0 =	seq.s32 s10, $0x1;
	s10 =	sld [smem:$0x3FB2];
	_ =	sdelay $0x3  }
0x34: {  	[smem:$0x3FB2] =	sst s10  }
0x35: {  	s10 =	sld [smem:$0x3FB1];
	_ =	sdelay $0x3  }
0x36: {  	p1 =	seq.s32 s10, $0x1;
	s10 =	sld [smem:$0x3FB2];
	_ =	sdelay $0x3  }
0x37: {  	[smem:$0x3FB2] =	sst s10  }
0x38: {  	s10 =	sld [smem:$0x3FB3]  }
0x39: {  	_ = 	snop;
	(pc) =	sbr.ind lr, $3  }
0x3a: {  	_ = 	snop  }
0x3b: {  	_ = 	snop  }
0x3c: {  	p2 =	seq.s32 s10, $0x1;
	s10 =	sld [smem:$0x3FB2]  }
0x3d: {  	_ =	shalt  }
0x3e: {  	_ =	shalt  }
0x3f: {  	_ =	shalt  }
0x40: {  	_ =	shalt  }
0x41: {  	_ =	shalt  }
0x42: {  	_ =	shalt  }
0x43: {  	_ =	shalt  }
0x44: {  	_ =	shalt  }
0x45: {  	_ =	shalt  }
0x46: {  	_ =	shalt  }
0x47: {  	_ =	shalt  }
0x48: {  	_ =	shalt  }
0x49: {  	_ =	shalt  }
0x4a: {  	_ =	shalt  }
0x4b: {  	_ =	shalt  }
0x4c: {  	_ =	shalt  }
0x4d: {  	_ =	shalt  }
0x4e: {  	_ =	shalt  }
0x4f: {  	_ =	shalt  }
0x50: {  	_ =	shalt  }
0x51: {  	_ =	shalt  }
0x52: {  	_ =	shalt  }
0x53: {  	_ =	shalt  }
0x54: {  	_ =	shalt  }
0x55: {  	_ =	shalt  }
0x56: {  	_ =	shalt  }
0x57: {  	_ =	shalt  }
0x58: {  	_ =	shalt  }
0x59: {  	_ =	shalt  }
0x5a: {  	_ =	shalt  }
0x5b: {  	_ =	shalt  }
0x5c: {  	_ =	shalt  }
0x5d: {  	_ =	shalt  }
0x5e: {  	_ =	shalt  }
0x5f: {  	_ =	shalt  }
0x60: {  	_ =	shalt  }
0x61: {  	_ =	shalt  }
0x62: {  	_ =	shalt  }
0x63: {  	_ =	shalt  }
0x64: {  	_ =	shalt  }
0x65: {  	_ =	shalt  }
0x66: {  	_ =	shalt  }
0x67: {  	_ =	shalt  }
0x68: {  	_ =	shalt  }
0x69: {  	_ =	shalt  }
0x6a: {  	_ =	shalt  }
0x6b: {  	_ =	shalt  }
0x6c: {  	_ =	shalt  }
0x6d: {  	_ =	shalt  }
0x6e: {  	_ =	shalt  }
0x6f: {  	_ =	shalt  }
0x70: {  	_ =	shalt  }
0x71: {  	_ =	shalt  }
0x72: {  	_ =	shalt  }
0x73: {  	_ =	shalt  }
0x74: {  	_ =	shalt  }
0x75: {  	_ =	shalt  }
0x76: {  	_ =	shalt  }
0x77: {  	_ =	shalt  }
0x78: {  	_ =	shalt  }
0x79: {  	_ =	shalt  }
0x7a: {  	_ =	shalt  }
0x7b: {  	_ =	shalt  }
0x7c: {  	_ =	shalt  }
0x7d: {  	_ =	shalt  }
0x7e: {  	_ =	shalt  }
0x7f: {  	_ =	shalt  }
0x80: {  	_ =	shalt  }
0x81: {  	_ =	shalt  }
0x82: {  	_ =	shalt  }
0x83: {  	_ =	shalt  }
0x84: {  	_ =	shalt  }
0x85: {  	_ =	shalt  }
0x86: {  	_ =	shalt  }
0x87: {  	_ =	shalt  }
.Lfunc_end0:
.L_simem_size_0:
called_computation_lowered:
.L_overlay_start_0:
0x88: {  	s2 =	sld [smem:$0x3FD9]  }
0x89: {  	s3 =	sld [smem:$0x3FFE];
	_ =	sdelay $0x1  }
0x8a: {  	s1 =	srdreg.scid  }
0x8b: {  	s0 =	sand.u32 $0x1, s1  }
0x8c: {  	s17 =	sshll.u32 s0, $0xA;
	s2 =	sadd.s32 s3, s2  }
0x8d: {  	s2 =	sadd.s32 s2, s17  }
0x8e: {  	[smem:$0x3FBE] =	sst s2  }
0x8f: {  	_ = 	snop  }
0x90: {  	s2 =	sld [smem:$0x3FC9];
	(tm) =	ssettm $0x1  }
0x91: {  	s18 =	sld [smem:$0x3FFB];
	_ =	sdelay $0x3  }
0x92: {  	_ =	strace s18  }
0x93: {  	s3 =	sld [smem:$0x3FFC];
	_ =	sdelay $0x3  }
0x94: {  	_ =	strace s3  }
0x95: {  	s3 =	sld [smem:$0x3FFD];
	_ =	sdelay $0x3  }
0x96: {  	_ =	strace s3  }
0x97: {  	_ =	strace $0x8FFFFFFF  }
0x98: {  	s19 =	sld [smem:$0x3FDB];
	_ =	sdelay $0x1  }
0x99: {  	s4 =	simm.s32 $_scs_section_size  }
0x9a: {  	s5 =	simm.s32 $_size__tile_overlayer_lowered;
	s6 =	simm.s32 $_tile_overlayer_lowered  }
0x9b: {  	s22 =	simm.s32 $0x1BFF;
	s21 =	sshll.u32 s6, $0x1;
	s3 =	sadd.s32 s4, s19  }
0x9c: {  	s7 =	simm.s32 $0x0;
	s20 =	sshll.u32 s5, $0x1;
	s5 =	sadd.s32 s21, s3  }
0x9d: {  	[timem:s7], [sflag:s22] =	dma.local [hbm:s5], s20  }
0x9e: {  	_ =	swait.ge [sflag:s22], s20  }
0x9f: {  	s4 =	ssub.s32 $0x0, s20;
	[sflag:s22] =	ssyncset.done $0x0  }
0xa0: {  	[sflag:s22] =	ssyncadd.s32 s4;
	_ =	sdelay $0x1  }
0xa1: {  	s23 =	simm.s32 $0x1B8B  }
0xa2: {  	_ =	swait.ge [sflag:s23], $0x1  }
0xa3: {  	[sflag:s23] =	ssyncset.done $0x0  }
0xa4: {  	s25 =	simm.s32 $0x1B8E;
	s24 =	sld [smem:$0x3FFE];
	[sflag:s23] =	ssyncadd.s32 $0xFFFFFFFF  }
0xa5: {  	s26 =	simm.s32 $execute0_lowered;
	[smem:$0x3FD2] =	sst s25  }
0xa6: {  	s5 =	sshll.u32 s26, $0x1;
	_ =	strace $0x80000046;
	[dreg:$0x1] =	wrdreg $0xFFFFFFFF  }
0xa7: {  	s28 =	simm.s32 $_size_execute0_lowered;
	s3 =	sadd.s32 s3, s5;
	[dreg:$0x0] =	wrdreg $0x0  }
0xa8: {  	s5 =	sshll.u32 s28, $0x1;
	[dreg:$0x2] =	wrdreg s3  }
0xa9: {  	[dreg:$0x3] =	wrdreg s5  }
0xaa: {  	[dreg:$0x4] =	wrdreg $0xC0  }
0xab: {  	_ =	task [dreg:s7], $0x5FFFF  }
0xac: {  	[dreg:$0x1] =	wrdreg $0xFFFFFFFF  }
0xad: {  	[dreg:$0x0] =	wrdreg $0x60  }
0xae: {  	[dreg:$0x2] =	wrdreg s2  }
0xaf: {  	[dreg:$0x3] =	wrdreg s24  }
0xb0: {  	[dreg:$0x4] =	wrdreg $0x9  }
0xb1: {  	_ =	task.clear_ibuf [dreg:s7], $0x5FFFF;
	_ =	strace $0x90000046  }
0xb2: {  	s29 =	simm.s32 $0x9;
	_ =	strace $0x80000048  }
0xb3: {  	_ =	swait.ge [sflag:s29], $0x1  }
0xb4: {  	[sflag:s29] =	ssyncadd.s32 $0xFFFFFFFF  }
0xb5: {  	_ =	strace $0x90000048  }
0xb6: {  	_ =	sfence  }
0xb7: {  	s30 =	sld [smem:$0x0];
	_ =	sdelay $0x2  }
0xb8: {  	s31 =	sshll.u32 s1, $0xD;
	s1 =	sshrl.u32 s1, $0x2  }
0xb9: {  	s3 =	sand.u32 $0x4000, s31;
	s1 =	sadd.s32 s1, s30  }
0xba: {  	s0 =	sor.u32 s3, s0;
	s1 =	sshll.u32 s1, $0x11  }
0xbb: {  	s0 =	sor.u32 s1, s0  }
0xbc: {  	s0 =	sadd.s32 $0x8F2B, s0  }
0xbd: {  	[sflag:s0] =	ssyncadd.remote.s32 $0x1  }
0xbe: {  	_ =	sfence.sel $0xFFFF  }
0xbf: {  	[dreg:$0x0] =	wrdreg $0xFFFFFFFF;
	(pc) =	sbr.abs _section_cstart, $3  }
0xc0: {  	[dreg:$0x1] =	wrdreg $0xFFFFFFFF  }
0xc1: {  	_ =	task.clear_ibuf [dreg:s7], $0x2FFFF;
	_ =	strace $0x9FFFFFFF  }
0xc2: {  	(tm) =	ssettm $0x7FFFFFFF  }
0xc3: {  	_ =	shalt  }
tec
execute0_lowered:
.L_overlay_start_1:
0x0: {  	(tag) =	ssettag $0x1  }
0x1: {  	s1 =	stileid.u32  }
0x2: {  	p0 =	sgt.u32 s1, $0xC  }
.Ltmp0:
0x3: {  	_ = 	snop;
	(pc) =	sbr.rel @p0 .LBB2_7-.Ltmp0, $4  }
0x4: {  	s3 =	rddreg [dreg:$0x0]  }
0x5: {  	s4 =	rddreg [dreg:$0x1];
	s2 =	simm.s32 $0x0  }
0x6: {  	[smem:$0x7FF] =	sst s2  }
0x7: {  	s0 =	rddreg [dreg:$0x2];
	_ =	strace $0x80000047  }
0x8: {  	s5 =	srdreg.scid  }
0x9: {  	s6 =	sshll.u32 s1, $0x1;
	s31 =	sshll.u32 s1, $0xA;
	s5 =	sand.u32 $0x1, s5  }
0xa: {  	v0 =	vimm.f32 $0.0e+00;
	v1 =	vimm.f32 $1.000000000e+00;
	s9 =	simm.s32 $0x1000;
	s6 =	sor.u32 s5, s6;
	s5 =	ssub.s32 $0x2, s5  }
0xb: {  	vm0 =	vcmask $0x704;
	vm1 =	vcmask $0xB08;
	vm14 =	vcmask $0x3F3C;
	s7 =	smul.u32 $0x30E0, s6;
	s6 =	sshll.u32 s6, $0x4;
	s8 =	sshrl.u32 s5, $0x1  }
0xc: {  	vm2 =	vcmask $0xF0C;
	vm3 =	vcmask $0x1310;
	vm4 =	vcmask $0x1714;
	s10 =	simm.s32 $0x0;
	s6 =	sand.u32 $0x70, s6;
	s5 =	ssub.s32 s5, s8  }
0xd: {  	vm5 =	vcmask $0x1B18;
	vm6 =	vcmask $0x1F1C;
	vm7 =	vcmask $0x2320;
	s8 =	simm.s32 $0x1;
	s4 =	sadd.s32 s7, s4;
	s7 =	sand.u32 $0x3000, s31  }
0xe: {  	vm8 =	vcmask $0x2724;
	vm9 =	vcmask $0x2B28;
	vm10 =	vcmask $0x2F2C;
	s5 =	smax.u32 s5, $0x1;
	s7 =	sadd.s32 s3, s7;
	s3 =	sadd.s32 $0x1400, s4  }
0xf: {  	vm11 =	vcmask $0x3330;
	vm12 =	vcmask $0x3734;
	vm13 =	vcmask $0x3B38;
	s4 =	sadd.s32 s6, s7;
	s6 =	simm.s32 $0x80;
	s7 =	simm.s32 $0x400  }
.LBB2_2:
0x10: {  	s11 =	simm.s32 $0x0;
	s12 =	simm.s32 $0x400  }
.LBB2_3:
0x11: {  	p0 =	sne.s32 s12, $0x61400;
	[tilespmem:s11+$0x10F0] =	vst v0  }
0x12: {  	[tilespmem:s11+$0x1000] =	vst v0  }
0x13: {  	[tilespmem:s11+$0x1010] =	vst v0  }
0x14: {  	[tilespmem:s11+$0x1020] =	vst v0  }
0x15: {  	[tilespmem:s11+$0x1030] =	vst v0  }
0x16: {  	[tilespmem:s11+$0x1040] =	vst v0  }
0x17: {  	[tilespmem:s11+$0x1050] =	vst v0  }
0x18: {  	[tilespmem:s11+$0x1060] =	vst v0  }
0x19: {  	[tilespmem:s11+$0x1070] =	vst v0  }
0x1a: {  	[tilespmem:s11+$0x1080] =	vst v0  }
0x1b: {  	[tilespmem:s11+$0x1090] =	vst v0  }
.Ltmp1:
0x1c: {  	[tilespmem:s11+$0x10A0] =	vst v0;
	(pc) =	sbr.rel @p0 .LBB2_3-.Ltmp1, $4  }
0x1d: {  	[tilespmem:s11+$0x10B0] =	vst v0  }
0x1e: {  	[tilespmem:s11+$0x10C0] =	vst v0  }
0x1f: {  	[tilespmem:s11+$0x10D0] =	vst v0  }
0x20: {  	[tilespmem:s11+$0x10E0] =	vst v0;
	s11 =	sshra.s32 s12, $0x2;
	s12 =	sadd.s32 $0x400, s12  }
0x21: {  	[tilespmem:s11+$0x10F0] =	vst v0  }
0x22: {  	[tilespmem:s11+$0x1000] =	vst v0  }
0x23: {  	[tilespmem:s11+$0x1010] =	vst v0  }
0x24: {  	[tilespmem:s11+$0x1020] =	vst v0  }
0x25: {  	[tilespmem:s11+$0x1030] =	vst v0  }
0x26: {  	[tilespmem:s11+$0x1040] =	vst v0  }
0x27: {  	[tilespmem:s11+$0x1050] =	vst v0  }
0x28: {  	[tilespmem:s11+$0x1060] =	vst v0  }
0x29: {  	[tilespmem:s11+$0x1070] =	vst v0  }
0x2a: {  	[tilespmem:s11+$0x1080] =	vst v0  }
0x2b: {  	[tilespmem:s11+$0x1090] =	vst v0  }
0x2c: {  	[tilespmem:s11+$0x10A0] =	vst v0  }
0x2d: {  	[tilespmem:s11+$0x10B0] =	vst v0  }
0x2e: {  	[tilespmem:s11+$0x10C0] =	vst v0  }
0x2f: {  	[tilespmem:s11+$0x10D0] =	vst v0  }
0x30: {  	[tilespmem:s11+$0x10E0] =	vst v0  }
0x31: {  	[tilespmem:$0x19600] =	vst v0  }
0x32: {  	[tilespmem:$0x19610] =	vst v0  }
0x33: {  	[tilespmem:$0x19620] =	vst v0  }
0x34: {  	[tilespmem:$0x19630] =	vst v0  }
0x35: {  	[tilespmem:$0x19640] =	vst v0  }
0x36: {  	[tilespmem:$0x19650] =	vst v0  }
0x37: {  	[tilespmem:$0x19660] =	vst v0  }
0x38: {  	[tilespmem:$0x19670] =	vst v0  }
0x39: {  	[tilespmem:$0x19680] =	vst v0  }
0x3a: {  	s30 =	simm.s32 $0x0;
	[tilespmem:$0x19690] =	vst v0  }
0x3b: {  	[tilespmem:s30], [sflag:$0x1] =	stream.strided.gather [hbm4b:s4+s6], $0x1000, s7, s6, $0x38;
	[tilespmem:$0x19700] =	vst v63  }
0x3c: {  	_ =	swait.ge [sflag:s8], $0x1000  }
0x3d: {  	[sflag:s8] =	ssyncset.done $0x0  }
0x3e: {  	s31 =	simm.s32 $0x0;
	[sflag:s8] =	ssyncadd.s32 $0xFFFFF000  }
0x3f: {  	v2 =	vld [tilespmem:s31+$0x0];
	_ =	sdelay $0x7  }
0x40: {  	[tilespmem:v2+s9+$0x0] =	vst.idx.add.f32.msk $0x1, v1  }
0x41: {  	[tilespmem:v2+s9+$0x0] =	vst.idx.add.f32.msk vm0, v1  }
0x42: {  	[tilespmem:v2+s9+$0x0] =	vst.idx.add.f32.msk vm1, v1  }
0x43: {  	[tilespmem:v2+s9+$0x0] =	vst.idx.add.f32.msk vm2, v1  }
0x44: {  	[tilespmem:v2+s9+$0x0] =	vst.idx.add.f32.msk vm3, v1  }
0x45: {  	[tilespmem:v2+s9+$0x0] =	vst.idx.add.f32.msk vm4, v1  }
0x46: {  	[tilespmem:v2+s9+$0x0] =	vst.idx.add.f32.msk vm5, v1  }
0x47: {  	[tilespmem:v2+s9+$0x0] =	vst.idx.add.f32.msk vm6, v1  }
0x48: {  	[tilespmem:v2+s9+$0x0] =	vst.idx.add.f32.msk vm7, v1  }
0x49: {  	[tilespmem:v2+s9+$0x0] =	vst.idx.add.f32.msk vm8, v1  }
0x4a: {  	[tilespmem:v2+s9+$0x0] =	vst.idx.add.f32.msk vm9, v1  }
0x4b: {  	[tilespmem:v2+s9+$0x0] =	vst.idx.add.f32.msk vm10, v1  }
0x4c: {  	[tilespmem:v2+s9+$0x0] =	vst.idx.add.f32.msk vm11, v1  }
0x4d: {  	[tilespmem:v2+s9+$0x0] =	vst.idx.add.f32.msk vm12, v1  }
0x4e: {  	s11 =	simm.s32 $0x40;
	s12 =	simm.s32 $0x80;
	[tilespmem:v2+s9+$0x0] =	vst.idx.add.f32.msk vm13, v1  }
.LBB2_5:
0x4f: {  	p0 =	sne.s32 s12, $0x3FC0  }
0x50: {  	s13 =	sshra.s32 s11, $0x2;
	[tilespmem:v2+s9+$0x0] =	vst.idx.add.f32.msk vm14, v1;
	s11 =	smov.u32 s12;
	s12 =	sadd.s32 $0x40, s12  }
0x51: {  	v2 =	vld [tilespmem:s13+$0x0];
	_ =	sdelay $0x7  }
0x52: {  	[tilespmem:v2+s9+$0x0] =	vst.idx.add.f32.msk $0x1, v1  }
0x53: {  	[tilespmem:v2+s9+$0x0] =	vst.idx.add.f32.msk vm0, v1  }
0x54: {  	[tilespmem:v2+s9+$0x0] =	vst.idx.add.f32.msk vm1, v1  }
0x55: {  	[tilespmem:v2+s9+$0x0] =	vst.idx.add.f32.msk vm2, v1  }
0x56: {  	[tilespmem:v2+s9+$0x0] =	vst.idx.add.f32.msk vm3, v1  }
0x57: {  	[tilespmem:v2+s9+$0x0] =	vst.idx.add.f32.msk vm4, v1  }
0x58: {  	[tilespmem:v2+s9+$0x0] =	vst.idx.add.f32.msk vm5, v1  }
0x59: {  	[tilespmem:v2+s9+$0x0] =	vst.idx.add.f32.msk vm6, v1  }
0x5a: {  	[tilespmem:v2+s9+$0x0] =	vst.idx.add.f32.msk vm7, v1  }
0x5b: {  	[tilespmem:v2+s9+$0x0] =	vst.idx.add.f32.msk vm8, v1  }
.Ltmp2:
0x5c: {  	[tilespmem:v2+s9+$0x0] =	vst.idx.add.f32.msk vm9, v1;
	(pc) =	sbr.rel @p0 .LBB2_5-.Ltmp2, $4  }
0x5d: {  	[tilespmem:v2+s9+$0x0] =	vst.idx.add.f32.msk vm10, v1  }
0x5e: {  	[tilespmem:v2+s9+$0x0] =	vst.idx.add.f32.msk vm11, v1  }
0x5f: {  	[tilespmem:v2+s9+$0x0] =	vst.idx.add.f32.msk vm12, v1  }
0x60: {  	[tilespmem:v2+s9+$0x0] =	vst.idx.add.f32.msk vm13, v1  }
0x61: {  	_ =	sdelay $0x4  }
0x62: {  	s11 =	sshra.s32 s11, $0x2;
	[tilespmem:v2+s9+$0x0] =	vst.idx.add.f32.msk vm14, v1  }
0x63: {  	v2 =	vld [tilespmem:s11+$0x0];
	_ =	sdelay $0x7  }
0x64: {  	[tilespmem:v2+s9+$0x0] =	vst.idx.add.f32.msk $0x1, v1  }
0x65: {  	[tilespmem:v2+s9+$0x0] =	vst.idx.add.f32.msk vm0, v1  }
0x66: {  	[tilespmem:v2+s9+$0x0] =	vst.idx.add.f32.msk vm1, v1  }
0x67: {  	[tilespmem:v2+s9+$0x0] =	vst.idx.add.f32.msk vm2, v1  }
0x68: {  	[tilespmem:v2+s9+$0x0] =	vst.idx.add.f32.msk vm3, v1  }
0x69: {  	[tilespmem:v2+s9+$0x0] =	vst.idx.add.f32.msk vm4, v1  }
0x6a: {  	[tilespmem:v2+s9+$0x0] =	vst.idx.add.f32.msk vm5, v1  }
0x6b: {  	[tilespmem:v2+s9+$0x0] =	vst.idx.add.f32.msk vm6, v1  }
0x6c: {  	[tilespmem:v2+s9+$0x0] =	vst.idx.add.f32.msk vm7, v1  }
0x6d: {  	[tilespmem:v2+s9+$0x0] =	vst.idx.add.f32.msk vm8, v1  }
0x6e: {  	[tilespmem:v2+s9+$0x0] =	vst.idx.add.f32.msk vm9, v1  }
0x6f: {  	[tilespmem:v2+s9+$0x0] =	vst.idx.add.f32.msk vm10, v1  }
0x70: {  	[tilespmem:v2+s9+$0x0] =	vst.idx.add.f32.msk vm11, v1  }
0x71: {  	s10 =	sadd.s32 $0x1, s10;
	[tilespmem:v2+s9+$0x0] =	vst.idx.add.f32.msk vm12, v1  }
0x72: {  	p0 =	sne.s32 s10, s5;
	[tilespmem:v2+s9+$0x0] =	vst.idx.add.f32.msk vm13, v1  }
.Ltmp3:
0x73: {  	[tilespmem:v2+s9+$0x0] =	vst.idx.add.f32.msk vm14, v1;
	(pc) =	sbr.rel @p0 .LBB2_2-.Ltmp3, $4  }
0x74: {  	[hbm4b:s3+s2] =	stream.linear.scatter [tilespmem:s9], [sflag:$0x1], $0x18700, $0x38;
	[tilespmem:$0x19700] =	vst v63  }
0x75: {  	_ =	swait.ge [sflag:s8], $0x18700  }
0x76: {  	[sflag:s8] =	ssyncset.done $0x0  }
0x77: {  	[sflag:s8] =	ssyncadd.s32 $0xFFFE7900  }
.LBB2_7:
0x78: {  	_ =	sfence.sel $0x180000  }
0x79: {  	[bflag:$0x0] =	sbarrier.arrive $0xFFFF  }
0x7a: {  	p0 =	sne.s32 s1, $0x0;
	_ =	strace $0x90000047  }
0x7b: {  	s0 =	sadd.s32 @!p0 $0x100000, s0;
	[bflag:$0x2] =	sbarrier.arrive $0xFFFF  }
0x7c: {  	[sflag:s0] =	ssyncadd.tile.s32 @!p0 $0x1;
	_ =	shalt  }
.Lfunc_end2:
_tile_overlayer_lowered:
.L_overlay_start_2:
0x7d: {  	(tag) =	ssettag $0x2  }
0x7e: {  	s0 =	rddreg [dreg:$0x0];
	s2 =	stileid.u32  }
0x7f: {  	s1 =	rddreg [dreg:$0x1];
	p0 =	sne.s32 s2, $0x0  }
0x80: {  	s3 =	rddreg [dreg:$0x2];
	[bflag:$0x3] =	sbarrier.arrive $0xFFFF;
	s2 =	simm.s32 @!p0 $0x1C01  }
0x81: {  	[timem:s3], [sflag:s2] =	dma.local @!p0 [hbm:s0], s1  }
0x82: {  	s0 =	simm.s32 @!p0 $0x1  }
0x83: {  	_ =	swait.ge @!p0 [sflag:s0], s1  }
0x84: {  	s1 =	ssub.s32 @!p0 $0x0, s1;
	[sflag:s0] =	ssyncset.done @!p0 $0x0  }
0x85: {  	[sflag:s0] =	ssyncadd.s32 @!p0 s1  }
0x86: {  	[bflag:$0x3] =	sbarrier.arrive $0xFFFF  }
0x87: {  	_ =	shalt  }

</sc_bundles>
